<compile_context>
chip_gen: v7x
topology: tpu7x:2x2x1
jax: 0.10.2.dev20260603
libtpu: 0.0.44.dev20260713+nightly
codegen_flags: <defaults>
</compile_context>

<pallas_src>
import jax
import jax.numpy as jnp
from jax import lax
from jax.experimental import pallas as pl
from jax.experimental.pallas import tpu as pltpu
from jax.experimental.pallas import tpu_sc as plsc

_BATCH = 16384
_K = 16
_NROWS = 1000000

_info = plsc.get_sparse_core_info()
_NC, _NS, _L = _info.num_cores, _info.num_subcores, _info.num_lanes
_NW = _NC * _NS
_BPW = _BATCH // _NW
_NBLK = _BPW // _L


def _ncf_body(xt_hbm, wt_hbm, ht_hbm, lin_hbm, out_hbm,
              uidx_v, vidx_v, uwin_v, vwin_v, lin_v, out_v, sem_u, sem_v):
    wid = lax.axis_index("s") * _NC + lax.axis_index("c")
    base = wid * _BPW

    pltpu.sync_copy(lin_hbm, lin_v)
    pltpu.sync_copy(xt_hbm.at[0, pl.ds(base, _BPW)], uidx_v)
    pltpu.sync_copy(xt_hbm.at[1, pl.ds(base, _BPW)], vidx_v)

    wu_vec = lin_v[pl.ds(0, _L)]
    wv_vec = lin_v[pl.ds(_K, _L)]
    wb_vec = lin_v[pl.ds(2 * _K, _L)]
    wk = [wu_vec[k] for k in range(_K)] + [wv_vec[k] for k in range(_K)]
    lb = wb_vec[0]

    lane = lax.iota(jnp.int32, _L)

    def fire(idx_ref, tbl, win, sem, blk):
        c = idx_ref[pl.ds(blk * _L, _L)]
        for j in range(_L):
            a = pl.multiple_of((c[j] >> 7) * 128, 128)
            pltpu.async_copy(
                tbl.at[:, pl.ds(a, 128)], win.at[:, pl.ds(j * 128, 128)], sem)

    def drain(tbl, win, sem):
        pltpu.make_async_copy(tbl.at[:, pl.ds(0, _L * 128)], win, sem).wait()

    fire(uidx_v, wt_hbm, uwin_v, sem_u, 0)

    def blk_body(blk, carry):
        rbase = blk * _L
        fire(vidx_v, ht_hbm, vwin_v, sem_v, blk)

        drain(wt_hbm, uwin_v, sem_u)
        ucol = (uidx_v[pl.ds(rbase, _L)] & 127) + lane * 128
        acc = jnp.full((_L,), 0.0, jnp.float32)
        for k in range(_K):
            plane = jnp.full((_L,), k, jnp.int32)
            acc = acc + plsc.load_gather(uwin_v, [plane, ucol]) * wk[k]

        @pl.when(blk < _NBLK - 1)
        def _():
            fire(uidx_v, wt_hbm, uwin_v, sem_u, blk + 1)

        drain(ht_hbm, vwin_v, sem_v)
        vcol = (vidx_v[pl.ds(rbase, _L)] & 127) + lane * 128
        for k in range(_K):
            plane = jnp.full((_L,), k, jnp.int32)
            acc = acc + plsc.load_gather(vwin_v, [plane, vcol]) * wk[_K + k]

        z = acc + lb
        out_v[pl.ds(rbase, _L)] = 1.0 / (1.0 + jnp.exp(-z))
        return carry

    lax.fori_loop(0, _NBLK, blk_body, 0)

    pltpu.sync_copy(out_v, out_hbm.at[pl.ds(base, _BPW)])


_ncf_sc = pl.kernel(
    _ncf_body,
    mesh=plsc.VectorSubcoreMesh(core_axis_name="c", subcore_axis_name="s"),
    out_type=jax.ShapeDtypeStruct((_BATCH,), jnp.float32),
    scratch_types=[
        pltpu.VMEM((_BPW,), jnp.int32),
        pltpu.VMEM((_BPW,), jnp.int32),
        pltpu.VMEM((_K, _L * 128), jnp.float32),
        pltpu.VMEM((_K, _L * 128), jnp.float32),
        pltpu.VMEM((48,), jnp.float32),
        pltpu.VMEM((_BPW,), jnp.float32),
        pltpu.SemaphoreType.DMA,
        pltpu.SemaphoreType.DMA,
    ],
    compiler_params=pltpu.CompilerParams(needs_layout_passes=False),
)


@jax.jit
def kernel(x, W, H, lin_w, lin_b):
    xt = x.T
    wt = W.T
    ht = H.T
    lin_all = jnp.concatenate(
        [lin_w.reshape(-1), lin_b.reshape(-1), jnp.zeros((15,), jnp.float32)])
    return _ncf_sc(xt, wt, ht, lin_all)

# --- scband reference (transcript-rebuilt; emitter-appended) ---
"""Pipeline reference for scband-ncf-base-model-17652315586950 (READ-ONLY COPY).

The authoritative reference and input builder live on the scoring server;
editing this copy changes nothing except your own understanding.
"""

import jax, jax.numpy as jnp
import numpy as np

NUM_USERS = 1000000
NUM_ITEMS = 1000000
EMBED_K = 16
BATCH = 16384

def setup_inputs(seed: int = 0) -> dict:
    key = jax.random.key(seed)
    k1, k2, k3, k4, k5 = jax.random.split(key, 5)
    x = jax.random.randint(k1, (BATCH, 2), 0, min(NUM_USERS, NUM_ITEMS), dtype=jnp.int64 if jax.config.jax_enable_x64 else jnp.int32).astype(jnp.int32)
    W = jax.random.normal(k2, (NUM_USERS, EMBED_K), dtype=jnp.float32)
    H = jax.random.normal(k3, (NUM_ITEMS, EMBED_K), dtype=jnp.float32)
    lin_w = jax.random.normal(k4, (1, EMBED_K * 2), dtype=jnp.float32) * (1.0 / np.sqrt(EMBED_K * 2))
    lin_b = jax.random.normal(k5, (1,), dtype=jnp.float32) * 0.01
    return {"x": x, "W": W, "H": H, "lin_w": lin_w, "lin_b": lin_b}

def reference(x, W, H, lin_w, lin_b):
    user_idx = x[:, 0]
    item_idx = x[:, 1]
    U_emb = jnp.take(W, user_idx, axis=0)
    V_emb = jnp.take(H, item_idx, axis=0)
    z_emb = jnp.concatenate([U_emb, V_emb], axis=1)
    out = jax.nn.sigmoid(z_emb @ lin_w.T + lin_b)
    return jnp.squeeze(out)

if __name__ == "__main__":
    import jax
    _d = setup_inputs()
    print(jax.jit(kernel)(*tuple(_d.values())))

</pallas_src>

<mosaic_0001>
#map = affine_map<(d0, d1) -> (0, 0)>
#map1 = affine_map<(d0, d1) -> (0)>
module attributes {stable_mosaic.version = 14 : i64} {
  func.func @_ncf_body(%arg0: i32, %arg1: i32, %arg2: memref<2x16384xi32, #tpu.memory_space<hbm>>, %arg3: memref<16x1000000xf32, #tpu.memory_space<hbm>>, %arg4: memref<16x1000000xf32, #tpu.memory_space<hbm>>, %arg5: memref<48xf32, #tpu.memory_space<hbm>>, %arg6: memref<16384xf32, #tpu.memory_space<hbm>>, %arg7: memref<512xi32, #tpu.memory_space<vmem>>, %arg8: memref<512xi32, #tpu.memory_space<vmem>>, %arg9: memref<16x2048xf32, #tpu.memory_space<vmem>>, %arg10: memref<16x2048xf32, #tpu.memory_space<vmem>>, %arg11: memref<48xf32, #tpu.memory_space<vmem>>, %arg12: memref<512xf32, #tpu.memory_space<vmem>>, %arg13: memref<!tpu.dma_semaphore, #tpu.memory_space<semaphore_mem>>, %arg14: memref<!tpu.dma_semaphore, #tpu.memory_space<semaphore_mem>>) attributes {dimension_semantics = [#tpu.dimension_semantics<core_parallel>, #tpu.dimension_semantics<subcore_parallel>], iteration_bounds = array<i64: 2, 16>, scalar_prefetch = 0 : i64, scratch_operands = 8 : i64, tpu.core_type = #tpu.core_type<sc_vector_subcore>, window_params = [{transform_indices = #map}, {transform_indices = #map}, {transform_indices = #map}, {transform_indices = #map1}, {transform_indices = #map1}]} {
    %mul3A = arith.constant 2 : i32
    %mul3A_0 = arith.muli %arg1, %mul3A : i32
    %add3A = arith.addi %mul3A_0, %arg0 : i32
    %mul3A_1 = arith.constant 512 : i32
    %mul3A_2 = arith.muli %add3A, %mul3A_1 : i32
    "tpu.region"() ({
      %run_scoped3A_349 = tpu.sem_alloc : memref<!tpu.dma_semaphore, #tpu.memory_space<semaphore_mem>>
      tpu.enqueue_dma source(%arg5 : memref<48xf32, #tpu.memory_space<hbm>>) target(%arg11 : memref<48xf32, #tpu.memory_space<vmem>>) target_semaphore(%run_scoped3A_349 : memref<!tpu.dma_semaphore, #tpu.memory_space<semaphore_mem>>)
      tpu.wait_dma2 semaphore(%run_scoped3A_349 : memref<!tpu.dma_semaphore, #tpu.memory_space<semaphore_mem>>) src(%arg5 : memref<48xf32, #tpu.memory_space<hbm>>) dst(%arg11 : memref<48xf32, #tpu.memory_space<vmem>>)
      tpu.yield
    }) : () -> ()
    %run_scoped3A = arith.constant 0 : i32
    "tpu.region"() ({
      %run_scoped3A_349 = tpu.sem_alloc : memref<!tpu.dma_semaphore, #tpu.memory_space<semaphore_mem>>
      %dma_start3A_350 = tpu.memref_slice %arg2[%run_scoped3A, %mul3A_2] : memref<2x16384xi32, #tpu.memory_space<hbm>> -> memref<1x512xi32, #tpu.memory_space<hbm>>
      %dma_start3A_351 = tpu.memref_squeeze %dma_start3A_350 : memref<1x512xi32, #tpu.memory_space<hbm>> -> memref<512xi32, #tpu.memory_space<hbm>>
      %dma_start3A_352 = tpu.memref_slice %arg2[%run_scoped3A, %mul3A_2] : memref<2x16384xi32, #tpu.memory_space<hbm>> -> memref<1x512xi32, #tpu.memory_space<hbm>>
      %dma_start3A_353 = tpu.memref_squeeze %dma_start3A_352 : memref<1x512xi32, #tpu.memory_space<hbm>> -> memref<512xi32, #tpu.memory_space<hbm>>
      tpu.enqueue_dma source(%dma_start3A_353 : memref<512xi32, #tpu.memory_space<hbm>>) target(%arg7 : memref<512xi32, #tpu.memory_space<vmem>>) target_semaphore(%run_scoped3A_349 : memref<!tpu.dma_semaphore, #tpu.memory_space<semaphore_mem>>)
      %dma_wait3A = tpu.memref_slice %arg2[%run_scoped3A, %mul3A_2] : memref<2x16384xi32, #tpu.memory_space<hbm>> -> memref<1x512xi32, #tpu.memory_space<hbm>>
      %dma_wait3A_354 = tpu.memref_squeeze %dma_wait3A : memref<1x512xi32, #tpu.memory_space<hbm>> -> memref<512xi32, #tpu.memory_space<hbm>>
      %dma_wait3A_355 = tpu.memref_slice %arg2[%run_scoped3A, %mul3A_2] : memref<2x16384xi32, #tpu.memory_space<hbm>> -> memref<1x512xi32, #tpu.memory_space<hbm>>
      %dma_wait3A_356 = tpu.memref_squeeze %dma_wait3A_355 : memref<1x512xi32, #tpu.memory_space<hbm>> -> memref<512xi32, #tpu.memory_space<hbm>>
      tpu.wait_dma2 semaphore(%run_scoped3A_349 : memref<!tpu.dma_semaphore, #tpu.memory_space<semaphore_mem>>) src(%dma_wait3A_356 : memref<512xi32, #tpu.memory_space<hbm>>) dst(%arg7 : memref<512xi32, #tpu.memory_space<vmem>>)
      tpu.yield
    }) : () -> ()
    %run_scoped3A_3 = arith.constant 1 : i32
    "tpu.region"() ({
      %run_scoped3A_349 = tpu.sem_alloc : memref<!tpu.dma_semaphore, #tpu.memory_space<semaphore_mem>>
      %dma_start3A_350 = tpu.memref_slice %arg2[%run_scoped3A_3, %mul3A_2] : memref<2x16384xi32, #tpu.memory_space<hbm>> -> memref<1x512xi32, #tpu.memory_space<hbm>>
      %dma_start3A_351 = tpu.memref_squeeze %dma_start3A_350 : memref<1x512xi32, #tpu.memory_space<hbm>> -> memref<512xi32, #tpu.memory_space<hbm>>
      %dma_start3A_352 = tpu.memref_slice %arg2[%run_scoped3A_3, %mul3A_2] : memref<2x16384xi32, #tpu.memory_space<hbm>> -> memref<1x512xi32, #tpu.memory_space<hbm>>
      %dma_start3A_353 = tpu.memref_squeeze %dma_start3A_352 : memref<1x512xi32, #tpu.memory_space<hbm>> -> memref<512xi32, #tpu.memory_space<hbm>>
      tpu.enqueue_dma source(%dma_start3A_353 : memref<512xi32, #tpu.memory_space<hbm>>) target(%arg8 : memref<512xi32, #tpu.memory_space<vmem>>) target_semaphore(%run_scoped3A_349 : memref<!tpu.dma_semaphore, #tpu.memory_space<semaphore_mem>>)
      %dma_wait3A = tpu.memref_slice %arg2[%run_scoped3A_3, %mul3A_2] : memref<2x16384xi32, #tpu.memory_space<hbm>> -> memref<1x512xi32, #tpu.memory_space<hbm>>
      %dma_wait3A_354 = tpu.memref_squeeze %dma_wait3A : memref<1x512xi32, #tpu.memory_space<hbm>> -> memref<512xi32, #tpu.memory_space<hbm>>
      %dma_wait3A_355 = tpu.memref_slice %arg2[%run_scoped3A_3, %mul3A_2] : memref<2x16384xi32, #tpu.memory_space<hbm>> -> memref<1x512xi32, #tpu.memory_space<hbm>>
      %dma_wait3A_356 = tpu.memref_squeeze %dma_wait3A_355 : memref<1x512xi32, #tpu.memory_space<hbm>> -> memref<512xi32, #tpu.memory_space<hbm>>
      tpu.wait_dma2 semaphore(%run_scoped3A_349 : memref<!tpu.dma_semaphore, #tpu.memory_space<semaphore_mem>>) src(%dma_wait3A_356 : memref<512xi32, #tpu.memory_space<hbm>>) dst(%arg8 : memref<512xi32, #tpu.memory_space<vmem>>)
      tpu.yield
    }) : () -> ()
    %get3A = arith.constant 0 : index
    %get3A_4 = tpu.vector_load %arg11[%get3A] {strides = array<i32>} : memref<48xf32, #tpu.memory_space<vmem>>, vector<16xf32>,
    %get3A_5 = arith.constant 16 : index
    %get3A_6 = tpu.vector_load %arg11[%get3A_5] {strides = array<i32>} : memref<48xf32, #tpu.memory_space<vmem>>, vector<16xf32>,
    %get3A_7 = arith.constant 32 : index
    %get3A_8 = tpu.vector_load %arg11[%get3A_7] {strides = array<i32>} : memref<48xf32, #tpu.memory_space<vmem>>, vector<16xf32>,
    %slice3A = vector.extract_strided_slice %get3A_4 {offsets = [0], sizes = [1], strides = [1]} : vector<16xf32> to vector<1xf32>
    %squeeze3A = vector.extract %slice3A[0] : f32 from vector<1xf32>
    %slice3A_9 = vector.extract_strided_slice %get3A_4 {offsets = [1], sizes = [1], strides = [1]} : vector<16xf32> to vector<1xf32>
    %squeeze3A_10 = vector.extract %slice3A_9[0] : f32 from vector<1xf32>
    %slice3A_11 = vector.extract_strided_slice %get3A_4 {offsets = [2], sizes = [1], strides = [1]} : vector<16xf32> to vector<1xf32>
    %squeeze3A_12 = vector.extract %slice3A_11[0] : f32 from vector<1xf32>
    %slice3A_13 = vector.extract_strided_slice %get3A_4 {offsets = [3], sizes = [1], strides = [1]} : vector<16xf32> to vector<1xf32>
    %squeeze3A_14 = vector.extract %slice3A_13[0] : f32 from vector<1xf32>
    %slice3A_15 = vector.extract_strided_slice %get3A_4 {offsets = [4], sizes = [1], strides = [1]} : vector<16xf32> to vector<1xf32>
    %squeeze3A_16 = vector.extract %slice3A_15[0] : f32 from vector<1xf32>
    %slice3A_17 = vector.extract_strided_slice %get3A_4 {offsets = [5], sizes = [1], strides = [1]} : vector<16xf32> to vector<1xf32>
    %squeeze3A_18 = vector.extract %slice3A_17[0] : f32 from vector<1xf32>
    %slice3A_19 = vector.extract_strided_slice %get3A_4 {offsets = [6], sizes = [1], strides = [1]} : vector<16xf32> to vector<1xf32>
    %squeeze3A_20 = vector.extract %slice3A_19[0] : f32 from vector<1xf32>
    %slice3A_21 = vector.extract_strided_slice %get3A_4 {offsets = [7], sizes = [1], strides = [1]} : vector<16xf32> to vector<1xf32>
    %squeeze3A_22 = vector.extract %slice3A_21[0] : f32 from vector<1xf32>
    %slice3A_23 = vector.extract_strided_slice %get3A_4 {offsets = [8], sizes = [1], strides = [1]} : vector<16xf32> to vector<1xf32>
    %squeeze3A_24 = vector.extract %slice3A_23[0] : f32 from vector<1xf32>
    %slice3A_25 = vector.extract_strided_slice %get3A_4 {offsets = [9], sizes = [1], strides = [1]} : vector<16xf32> to vector<1xf32>
    %squeeze3A_26 = vector.extract %slice3A_25[0] : f32 from vector<1xf32>
    %slice3A_27 = vector.extract_strided_slice %get3A_4 {offsets = [10], sizes = [1], strides = [1]} : vector<16xf32> to vector<1xf32>
    %squeeze3A_28 = vector.extract %slice3A_27[0] : f32 from vector<1xf32>
    %slice3A_29 = vector.extract_strided_slice %get3A_4 {offsets = [11], sizes = [1], strides = [1]} : vector<16xf32> to vector<1xf32>
    %squeeze3A_30 = vector.extract %slice3A_29[0] : f32 from vector<1xf32>
    %slice3A_31 = vector.extract_strided_slice %get3A_4 {offsets = [12], sizes = [1], strides = [1]} : vector<16xf32> to vector<1xf32>
    %squeeze3A_32 = vector.extract %slice3A_31[0] : f32 from vector<1xf32>
    %slice3A_33 = vector.extract_strided_slice %get3A_4 {offsets = [13], sizes = [1], strides = [1]} : vector<16xf32> to vector<1xf32>
    %squeeze3A_34 = vector.extract %slice3A_33[0] : f32 from vector<1xf32>
    %slice3A_35 = vector.extract_strided_slice %get3A_4 {offsets = [14], sizes = [1], strides = [1]} : vector<16xf32> to vector<1xf32>
    %squeeze3A_36 = vector.extract %slice3A_35[0] : f32 from vector<1xf32>
    %slice3A_37 = vector.extract_strided_slice %get3A_4 {offsets = [15], sizes = [1], strides = [1]} : vector<16xf32> to vector<1xf32>
    %squeeze3A_38 = vector.extract %slice3A_37[0] : f32 from vector<1xf32>
    %slice3A_39 = vector.extract_strided_slice %get3A_6 {offsets = [0], sizes = [1], strides = [1]} : vector<16xf32> to vector<1xf32>
    %squeeze3A_40 = vector.extract %slice3A_39[0] : f32 from vector<1xf32>
    %slice3A_41 = vector.extract_strided_slice %get3A_6 {offsets = [1], sizes = [1], strides = [1]} : vector<16xf32> to vector<1xf32>
    %squeeze3A_42 = vector.extract %slice3A_41[0] : f32 from vector<1xf32>
    %slice3A_43 = vector.extract_strided_slice %get3A_6 {offsets = [2], sizes = [1], strides = [1]} : vector<16xf32> to vector<1xf32>
    %squeeze3A_44 = vector.extract %slice3A_43[0] : f32 from vector<1xf32>
    %slice3A_45 = vector.extract_strided_slice %get3A_6 {offsets = [3], sizes = [1], strides = [1]} : vector<16xf32> to vector<1xf32>
    %squeeze3A_46 = vector.extract %slice3A_45[0] : f32 from vector<1xf32>
    %slice3A_47 = vector.extract_strided_slice %get3A_6 {offsets = [4], sizes = [1], strides = [1]} : vector<16xf32> to vector<1xf32>
    %squeeze3A_48 = vector.extract %slice3A_47[0] : f32 from vector<1xf32>
    %slice3A_49 = vector.extract_strided_slice %get3A_6 {offsets = [5], sizes = [1], strides = [1]} : vector<16xf32> to vector<1xf32>
    %squeeze3A_50 = vector.extract %slice3A_49[0] : f32 from vector<1xf32>
    %slice3A_51 = vector.extract_strided_slice %get3A_6 {offsets = [6], sizes = [1], strides = [1]} : vector<16xf32> to vector<1xf32>
    %squeeze3A_52 = vector.extract %slice3A_51[0] : f32 from vector<1xf32>
    %slice3A_53 = vector.extract_strided_slice %get3A_6 {offsets = [7], sizes = [1], strides = [1]} : vector<16xf32> to vector<1xf32>
    %squeeze3A_54 = vector.extract %slice3A_53[0] : f32 from vector<1xf32>
    %slice3A_55 = vector.extract_strided_slice %get3A_6 {offsets = [8], sizes = [1], strides = [1]} : vector<16xf32> to vector<1xf32>
    %squeeze3A_56 = vector.extract %slice3A_55[0] : f32 from vector<1xf32>
    %slice3A_57 = vector.extract_strided_slice %get3A_6 {offsets = [9], sizes = [1], strides = [1]} : vector<16xf32> to vector<1xf32>
    %squeeze3A_58 = vector.extract %slice3A_57[0] : f32 from vector<1xf32>
    %slice3A_59 = vector.extract_strided_slice %get3A_6 {offsets = [10], sizes = [1], strides = [1]} : vector<16xf32> to vector<1xf32>
    %squeeze3A_60 = vector.extract %slice3A_59[0] : f32 from vector<1xf32>
    %slice3A_61 = vector.extract_strided_slice %get3A_6 {offsets = [11], sizes = [1], strides = [1]} : vector<16xf32> to vector<1xf32>
    %squeeze3A_62 = vector.extract %slice3A_61[0] : f32 from vector<1xf32>
    %slice3A_63 = vector.extract_strided_slice %get3A_6 {offsets = [12], sizes = [1], strides = [1]} : vector<16xf32> to vector<1xf32>
    %squeeze3A_64 = vector.extract %slice3A_63[0] : f32 from vector<1xf32>
    %slice3A_65 = vector.extract_strided_slice %get3A_6 {offsets = [13], sizes = [1], strides = [1]} : vector<16xf32> to vector<1xf32>
    %squeeze3A_66 = vector.extract %slice3A_65[0] : f32 from vector<1xf32>
    %slice3A_67 = vector.extract_strided_slice %get3A_6 {offsets = [14], sizes = [1], strides = [1]} : vector<16xf32> to vector<1xf32>
    %squeeze3A_68 = vector.extract %slice3A_67[0] : f32 from vector<1xf32>
    %slice3A_69 = vector.extract_strided_slice %get3A_6 {offsets = [15], sizes = [1], strides = [1]} : vector<16xf32> to vector<1xf32>
    %squeeze3A_70 = vector.extract %slice3A_69[0] : f32 from vector<1xf32>
    %slice3A_71 = vector.extract_strided_slice %get3A_8 {offsets = [0], sizes = [1], strides = [1]} : vector<16xf32> to vector<1xf32>
    %squeeze3A_72 = vector.extract %slice3A_71[0] : f32 from vector<1xf32>
    %iota3A = tpu.iota {dimensions = array<i32: 0>} : vector<16xi32>
    %get3A_73 = arith.constant 0 : index
    %get3A_74 = tpu.vector_load %arg7[%get3A_73] {strides = array<i32>} : memref<512xi32, #tpu.memory_space<vmem>>, vector<16xi32>,
    %slice3A_75 = vector.extract_strided_slice %get3A_74 {offsets = [0], sizes = [1], strides = [1]} : vector<16xi32> to vector<1xi32>
    %squeeze3A_76 = vector.extract %slice3A_75[0] : i32 from vector<1xi32>
    %shift_right_arithmetic3A = arith.constant 7 : i32
    %shift_right_arithmetic3A_77 = arith.shrsi %squeeze3A_76, %shift_right_arithmetic3A : i32
    %mul3A_78 = arith.constant 128 : i32
    %mul3A_79 = arith.muli %shift_right_arithmetic3A_77, %mul3A_78 : i32
    %multiple_of3A = tpu.assume_multiple %mul3A_79, 128 : i32
    %dma_start3A = arith.constant 0 : i32
    %dma_start3A_80 = arith.constant 0 : i32
    %dma_start3A_81 = tpu.memref_slice %arg9[%dma_start3A, %dma_start3A_80] : memref<16x2048xf32, #tpu.memory_space<vmem>> -> memref<16x128xf32, #tpu.memory_space<vmem>>
    %dma_start3A_82 = arith.constant 0 : i32
    %dma_start3A_83 = tpu.memref_slice %arg3[%dma_start3A_82, %multiple_of3A] : memref<16x1000000xf32, #tpu.memory_space<hbm>> -> memref<16x128xf32, #tpu.memory_space<hbm>>
    %dma_start3A_84 = arith.constant 0 : i32
    %dma_start3A_85 = arith.constant 0 : i32
    %dma_start3A_86 = tpu.memref_slice %arg9[%dma_start3A_84, %dma_start3A_85] : memref<16x2048xf32, #tpu.memory_space<vmem>> -> memref<16x128xf32, #tpu.memory_space<vmem>>
    %dma_start3A_87 = arith.constant 0 : i32
    %dma_start3A_88 = tpu.memref_slice %arg3[%dma_start3A_87, %multiple_of3A] : memref<16x1000000xf32, #tpu.memory_space<hbm>> -> memref<16x128xf32, #tpu.memory_space<hbm>>
    tpu.enqueue_dma source(%dma_start3A_88 : memref<16x128xf32, #tpu.memory_space<hbm>>) target(%dma_start3A_86 : memref<16x128xf32, #tpu.memory_space<vmem>>) target_semaphore(%arg13 : memref<!tpu.dma_semaphore, #tpu.memory_space<semaphore_mem>>)
    %slice3A_89 = vector.extract_strided_slice %get3A_74 {offsets = [1], sizes = [1], strides = [1]} : vector<16xi32> to vector<1xi32>
    %squeeze3A_90 = vector.extract %slice3A_89[0] : i32 from vector<1xi32>
    %shift_right_arithmetic3A_91 = arith.constant 7 : i32
    %shift_right_arithmetic3A_92 = arith.shrsi %squeeze3A_90, %shift_right_arithmetic3A_91 : i32
    %mul3A_93 = arith.constant 128 : i32
    %mul3A_94 = arith.muli %shift_right_arithmetic3A_92, %mul3A_93 : i32
    %multiple_of3A_95 = tpu.assume_multiple %mul3A_94, 128 : i32
    %dma_start3A_96 = arith.constant 0 : i32
    %dma_start3A_97 = arith.constant 128 : i32
    %dma_start3A_98 = tpu.memref_slice %arg9[%dma_start3A_96, %dma_start3A_97] : memref<16x2048xf32, #tpu.memory_space<vmem>> -> memref<16x128xf32, #tpu.memory_space<vmem>>
    %dma_start3A_99 = arith.constant 0 : i32
    %dma_start3A_100 = tpu.memref_slice %arg3[%dma_start3A_99, %multiple_of3A_95] : memref<16x1000000xf32, #tpu.memory_space<hbm>> -> memref<16x128xf32, #tpu.memory_space<hbm>>
    %dma_start3A_101 = arith.constant 0 : i32
    %dma_start3A_102 = arith.constant 128 : i32
    %dma_start3A_103 = tpu.memref_slice %arg9[%dma_start3A_101, %dma_start3A_102] : memref<16x2048xf32, #tpu.memory_space<vmem>> -> memref<16x128xf32, #tpu.memory_space<vmem>>
    %dma_start3A_104 = arith.constant 0 : i32
    %dma_start3A_105 = tpu.memref_slice %arg3[%dma_start3A_104, %multiple_of3A_95] : memref<16x1000000xf32, #tpu.memory_space<hbm>> -> memref<16x128xf32, #tpu.memory_space<hbm>>
    tpu.enqueue_dma source(%dma_start3A_105 : memref<16x128xf32, #tpu.memory_space<hbm>>) target(%dma_start3A_103 : memref<16x128xf32, #tpu.memory_space<vmem>>) target_semaphore(%arg13 : memref<!tpu.dma_semaphore, #tpu.memory_space<semaphore_mem>>)
    %slice3A_106 = vector.extract_strided_slice %get3A_74 {offsets = [2], sizes = [1], strides = [1]} : vector<16xi32> to vector<1xi32>
    %squeeze3A_107 = vector.extract %slice3A_106[0] : i32 from vector<1xi32>
    %shift_right_arithmetic3A_108 = arith.constant 7 : i32
    %shift_right_arithmetic3A_109 = arith.shrsi %squeeze3A_107, %shift_right_arithmetic3A_108 : i32
    %mul3A_110 = arith.constant 128 : i32
    %mul3A_111 = arith.muli %shift_right_arithmetic3A_109, %mul3A_110 : i32
    %multiple_of3A_112 = tpu.assume_multiple %mul3A_111, 128 : i32
    %dma_start3A_113 = arith.constant 0 : i32
    %dma_start3A_114 = arith.constant 256 : i32
    %dma_start3A_115 = tpu.memref_slice %arg9[%dma_start3A_113, %dma_start3A_114] : memref<16x2048xf32, #tpu.memory_space<vmem>> -> memref<16x128xf32, #tpu.memory_space<vmem>>
    %dma_start3A_116 = arith.constant 0 : i32
    %dma_start3A_117 = tpu.memref_slice %arg3[%dma_start3A_116, %multiple_of3A_112] : memref<16x1000000xf32, #tpu.memory_space<hbm>> -> memref<16x128xf32, #tpu.memory_space<hbm>>
    %dma_start3A_118 = arith.constant 0 : i32
    %dma_start3A_119 = arith.constant 256 : i32
    %dma_start3A_120 = tpu.memref_slice %arg9[%dma_start3A_118, %dma_start3A_119] : memref<16x2048xf32, #tpu.memory_space<vmem>> -> memref<16x128xf32, #tpu.memory_space<vmem>>
    %dma_start3A_121 = arith.constant 0 : i32
    %dma_start3A_122 = tpu.memref_slice %arg3[%dma_start3A_121, %multiple_of3A_112] : memref<16x1000000xf32, #tpu.memory_space<hbm>> -> memref<16x128xf32, #tpu.memory_space<hbm>>
    tpu.enqueue_dma source(%dma_start3A_122 : memref<16x128xf32, #tpu.memory_space<hbm>>) target(%dma_start3A_120 : memref<16x128xf32, #tpu.memory_space<vmem>>) target_semaphore(%arg13 : memref<!tpu.dma_semaphore, #tpu.memory_space<semaphore_mem>>)
    %slice3A_123 = vector.extract_strided_slice %get3A_74 {offsets = [3], sizes = [1], strides = [1]} : vector<16xi32> to vector<1xi32>
    %squeeze3A_124 = vector.extract %slice3A_123[0] : i32 from vector<1xi32>
    %shift_right_arithmetic3A_125 = arith.constant 7 : i32
    %shift_right_arithmetic3A_126 = arith.shrsi %squeeze3A_124, %shift_right_arithmetic3A_125 : i32
    %mul3A_127 = arith.constant 128 : i32
    %mul3A_128 = arith.muli %shift_right_arithmetic3A_126, %mul3A_127 : i32
    %multiple_of3A_129 = tpu.assume_multiple %mul3A_128, 128 : i32
    %dma_start3A_130 = arith.constant 0 : i32
    %dma_start3A_131 = arith.constant 384 : i32
    %dma_start3A_132 = tpu.memref_slice %arg9[%dma_start3A_130, %dma_start3A_131] : memref<16x2048xf32, #tpu.memory_space<vmem>> -> memref<16x128xf32, #tpu.memory_space<vmem>>
    %dma_start3A_133 = arith.constant 0 : i32
    %dma_start3A_134 = tpu.memref_slice %arg3[%dma_start3A_133, %multiple_of3A_129] : memref<16x1000000xf32, #tpu.memory_space<hbm>> -> memref<16x128xf32, #tpu.memory_space<hbm>>
    %dma_start3A_135 = arith.constant 0 : i32
    %dma_start3A_136 = arith.constant 384 : i32
    %dma_start3A_137 = tpu.memref_slice %arg9[%dma_start3A_135, %dma_start3A_136] : memref<16x2048xf32, #tpu.memory_space<vmem>> -> memref<16x128xf32, #tpu.memory_space<vmem>>
    %dma_start3A_138 = arith.constant 0 : i32
    %dma_start3A_139 = tpu.memref_slice %arg3[%dma_start3A_138, %multiple_of3A_129] : memref<16x1000000xf32, #tpu.memory_space<hbm>> -> memref<16x128xf32, #tpu.memory_space<hbm>>
    tpu.enqueue_dma source(%dma_start3A_139 : memref<16x128xf32, #tpu.memory_space<hbm>>) target(%dma_start3A_137 : memref<16x128xf32, #tpu.memory_space<vmem>>) target_semaphore(%arg13 : memref<!tpu.dma_semaphore, #tpu.memory_space<semaphore_mem>>)
    %slice3A_140 = vector.extract_strided_slice %get3A_74 {offsets = [4], sizes = [1], strides = [1]} : vector<16xi32> to vector<1xi32>
    %squeeze3A_141 = vector.extract %slice3A_140[0] : i32 from vector<1xi32>
    %shift_right_arithmetic3A_142 = arith.constant 7 : i32
    %shift_right_arithmetic3A_143 = arith.shrsi %squeeze3A_141, %shift_right_arithmetic3A_142 : i32
    %mul3A_144 = arith.constant 128 : i32
    %mul3A_145 = arith.muli %shift_right_arithmetic3A_143, %mul3A_144 : i32
    %multiple_of3A_146 = tpu.assume_multiple %mul3A_145, 128 : i32
    %dma_start3A_147 = arith.constant 0 : i32
    %dma_start3A_148 = arith.constant 512 : i32
    %dma_start3A_149 = tpu.memref_slice %arg9[%dma_start3A_147, %dma_start3A_148] : memref<16x2048xf32, #tpu.memory_space<vmem>> -> memref<16x128xf32, #tpu.memory_space<vmem>>
    %dma_start3A_150 = arith.constant 0 : i32
    %dma_start3A_151 = tpu.memref_slice %arg3[%dma_start3A_150, %multiple_of3A_146] : memref<16x1000000xf32, #tpu.memory_space<hbm>> -> memref<16x128xf32, #tpu.memory_space<hbm>>
    %dma_start3A_152 = arith.constant 0 : i32
    %dma_start3A_153 = arith.constant 512 : i32
    %dma_start3A_154 = tpu.memref_slice %arg9[%dma_start3A_152, %dma_start3A_153] : memref<16x2048xf32, #tpu.memory_space<vmem>> -> memref<16x128xf32, #tpu.memory_space<vmem>>
    %dma_start3A_155 = arith.constant 0 : i32
    %dma_start3A_156 = tpu.memref_slice %arg3[%dma_start3A_155, %multiple_of3A_146] : memref<16x1000000xf32, #tpu.memory_space<hbm>> -> memref<16x128xf32, #tpu.memory_space<hbm>>
    tpu.enqueue_dma source(%dma_start3A_156 : memref<16x128xf32, #tpu.memory_space<hbm>>) target(%dma_start3A_154 : memref<16x128xf32, #tpu.memory_space<vmem>>) target_semaphore(%arg13 : memref<!tpu.dma_semaphore, #tpu.memory_space<semaphore_mem>>)
    %slice3A_157 = vector.extract_strided_slice %get3A_74 {offsets = [5], sizes = [1], strides = [1]} : vector<16xi32> to vector<1xi32>
    %squeeze3A_158 = vector.extract %slice3A_157[0] : i32 from vector<1xi32>
    %shift_right_arithmetic3A_159 = arith.constant 7 : i32
    %shift_right_arithmetic3A_160 = arith.shrsi %squeeze3A_158, %shift_right_arithmetic3A_159 : i32
    %mul3A_161 = arith.constant 128 : i32
    %mul3A_162 = arith.muli %shift_right_arithmetic3A_160, %mul3A_161 : i32
    %multiple_of3A_163 = tpu.assume_multiple %mul3A_162, 128 : i32
    %dma_start3A_164 = arith.constant 0 : i32
    %dma_start3A_165 = arith.constant 640 : i32
    %dma_start3A_166 = tpu.memref_slice %arg9[%dma_start3A_164, %dma_start3A_165] : memref<16x2048xf32, #tpu.memory_space<vmem>> -> memref<16x128xf32, #tpu.memory_space<vmem>>
    %dma_start3A_167 = arith.constant 0 : i32
    %dma_start3A_168 = tpu.memref_slice %arg3[%dma_start3A_167, %multiple_of3A_163] : memref<16x1000000xf32, #tpu.memory_space<hbm>> -> memref<16x128xf32, #tpu.memory_space<hbm>>
    %dma_start3A_169 = arith.constant 0 : i32
    %dma_start3A_170 = arith.constant 640 : i32
    %dma_start3A_171 = tpu.memref_slice %arg9[%dma_start3A_169, %dma_start3A_170] : memref<16x2048xf32, #tpu.memory_space<vmem>> -> memref<16x128xf32, #tpu.memory_space<vmem>>
    %dma_start3A_172 = arith.constant 0 : i32
    %dma_start3A_173 = tpu.memref_slice %arg3[%dma_start3A_172, %multiple_of3A_163] : memref<16x1000000xf32, #tpu.memory_space<hbm>> -> memref<16x128xf32, #tpu.memory_space<hbm>>
    tpu.enqueue_dma source(%dma_start3A_173 : memref<16x128xf32, #tpu.memory_space<hbm>>) target(%dma_start3A_171 : memref<16x128xf32, #tpu.memory_space<vmem>>) target_semaphore(%arg13 : memref<!tpu.dma_semaphore, #tpu.memory_space<semaphore_mem>>)
    %slice3A_174 = vector.extract_strided_slice %get3A_74 {offsets = [6], sizes = [1], strides = [1]} : vector<16xi32> to vector<1xi32>
    %squeeze3A_175 = vector.extract %slice3A_174[0] : i32 from vector<1xi32>
    %shift_right_arithmetic3A_176 = arith.constant 7 : i32
    %shift_right_arithmetic3A_177 = arith.shrsi %squeeze3A_175, %shift_right_arithmetic3A_176 : i32
    %mul3A_178 = arith.constant 128 : i32
    %mul3A_179 = arith.muli %shift_right_arithmetic3A_177, %mul3A_178 : i32
    %multiple_of3A_180 = tpu.assume_multiple %mul3A_179, 128 : i32
    %dma_start3A_181 = arith.constant 0 : i32
    %dma_start3A_182 = arith.constant 768 : i32
    %dma_start3A_183 = tpu.memref_slice %arg9[%dma_start3A_181, %dma_start3A_182] : memref<16x2048xf32, #tpu.memory_space<vmem>> -> memref<16x128xf32, #tpu.memory_space<vmem>>
    %dma_start3A_184 = arith.constant 0 : i32
    %dma_start3A_185 = tpu.memref_slice %arg3[%dma_start3A_184, %multiple_of3A_180] : memref<16x1000000xf32, #tpu.memory_space<hbm>> -> memref<16x128xf32, #tpu.memory_space<hbm>>
    %dma_start3A_186 = arith.constant 0 : i32
    %dma_start3A_187 = arith.constant 768 : i32
    %dma_start3A_188 = tpu.memref_slice %arg9[%dma_start3A_186, %dma_start3A_187] : memref<16x2048xf32, #tpu.memory_space<vmem>> -> memref<16x128xf32, #tpu.memory_space<vmem>>
    %dma_start3A_189 = arith.constant 0 : i32
    %dma_start3A_190 = tpu.memref_slice %arg3[%dma_start3A_189, %multiple_of3A_180] : memref<16x1000000xf32, #tpu.memory_space<hbm>> -> memref<16x128xf32, #tpu.memory_space<hbm>>
    tpu.enqueue_dma source(%dma_start3A_190 : memref<16x128xf32, #tpu.memory_space<hbm>>) target(%dma_start3A_188 : memref<16x128xf32, #tpu.memory_space<vmem>>) target_semaphore(%arg13 : memref<!tpu.dma_semaphore, #tpu.memory_space<semaphore_mem>>)
    %slice3A_191 = vector.extract_strided_slice %get3A_74 {offsets = [7], sizes = [1], strides = [1]} : vector<16xi32> to vector<1xi32>
    %squeeze3A_192 = vector.extract %slice3A_191[0] : i32 from vector<1xi32>
    %shift_right_arithmetic3A_193 = arith.constant 7 : i32
    %shift_right_arithmetic3A_194 = arith.shrsi %squeeze3A_192, %shift_right_arithmetic3A_193 : i32
    %mul3A_195 = arith.constant 128 : i32
    %mul3A_196 = arith.muli %shift_right_arithmetic3A_194, %mul3A_195 : i32
    %multiple_of3A_197 = tpu.assume_multiple %mul3A_196, 128 : i32
    %dma_start3A_198 = arith.constant 0 : i32
    %dma_start3A_199 = arith.constant 896 : i32
    %dma_start3A_200 = tpu.memref_slice %arg9[%dma_start3A_198, %dma_start3A_199] : memref<16x2048xf32, #tpu.memory_space<vmem>> -> memref<16x128xf32, #tpu.memory_space<vmem>>
    %dma_start3A_201 = arith.constant 0 : i32
    %dma_start3A_202 = tpu.memref_slice %arg3[%dma_start3A_201, %multiple_of3A_197] : memref<16x1000000xf32, #tpu.memory_space<hbm>> -> memref<16x128xf32, #tpu.memory_space<hbm>>
    %dma_start3A_203 = arith.constant 0 : i32
    %dma_start3A_204 = arith.constant 896 : i32
    %dma_start3A_205 = tpu.memref_slice %arg9[%dma_start3A_203, %dma_start3A_204] : memref<16x2048xf32, #tpu.memory_space<vmem>> -> memref<16x128xf32, #tpu.memory_space<vmem>>
    %dma_start3A_206 = arith.constant 0 : i32
    %dma_start3A_207 = tpu.memref_slice %arg3[%dma_start3A_206, %multiple_of3A_197] : memref<16x1000000xf32, #tpu.memory_space<hbm>> -> memref<16x128xf32, #tpu.memory_space<hbm>>
    tpu.enqueue_dma source(%dma_start3A_207 : memref<16x128xf32, #tpu.memory_space<hbm>>) target(%dma_start3A_205 : memref<16x128xf32, #tpu.memory_space<vmem>>) target_semaphore(%arg13 : memref<!tpu.dma_semaphore, #tpu.memory_space<semaphore_mem>>)
    %slice3A_208 = vector.extract_strided_slice %get3A_74 {offsets = [8], sizes = [1], strides = [1]} : vector<16xi32> to vector<1xi32>
    %squeeze3A_209 = vector.extract %slice3A_208[0] : i32 from vector<1xi32>
    %shift_right_arithmetic3A_210 = arith.constant 7 : i32
    %shift_right_arithmetic3A_211 = arith.shrsi %squeeze3A_209, %shift_right_arithmetic3A_210 : i32
    %mul3A_212 = arith.constant 128 : i32
    %mul3A_213 = arith.muli %shift_right_arithmetic3A_211, %mul3A_212 : i32
    %multiple_of3A_214 = tpu.assume_multiple %mul3A_213, 128 : i32
    %dma_start3A_215 = arith.constant 0 : i32
    %dma_start3A_216 = arith.constant 1024 : i32
    %dma_start3A_217 = tpu.memref_slice %arg9[%dma_start3A_215, %dma_start3A_216] : memref<16x2048xf32, #tpu.memory_space<vmem>> -> memref<16x128xf32, #tpu.memory_space<vmem>>
    %dma_start3A_218 = arith.constant 0 : i32
    %dma_start3A_219 = tpu.memref_slice %arg3[%dma_start3A_218, %multiple_of3A_214] : memref<16x1000000xf32, #tpu.memory_space<hbm>> -> memref<16x128xf32, #tpu.memory_space<hbm>>
    %dma_start3A_220 = arith.constant 0 : i32
    %dma_start3A_221 = arith.constant 1024 : i32
    %dma_start3A_222 = tpu.memref_slice %arg9[%dma_start3A_220, %dma_start3A_221] : memref<16x2048xf32, #tpu.memory_space<vmem>> -> memref<16x128xf32, #tpu.memory_space<vmem>>
    %dma_start3A_223 = arith.constant 0 : i32
    %dma_start3A_224 = tpu.memref_slice %arg3[%dma_start3A_223, %multiple_of3A_214] : memref<16x1000000xf32, #tpu.memory_space<hbm>> -> memref<16x128xf32, #tpu.memory_space<hbm>>
    tpu.enqueue_dma source(%dma_start3A_224 : memref<16x128xf32, #tpu.memory_space<hbm>>) target(%dma_start3A_222 : memref<16x128xf32, #tpu.memory_space<vmem>>) target_semaphore(%arg13 : memref<!tpu.dma_semaphore, #tpu.memory_space<semaphore_mem>>)
    %slice3A_225 = vector.extract_strided_slice %get3A_74 {offsets = [9], sizes = [1], strides = [1]} : vector<16xi32> to vector<1xi32>
    %squeeze3A_226 = vector.extract %slice3A_225[0] : i32 from vector<1xi32>
    %shift_right_arithmetic3A_227 = arith.constant 7 : i32
    %shift_right_arithmetic3A_228 = arith.shrsi %squeeze3A_226, %shift_right_arithmetic3A_227 : i32
    %mul3A_229 = arith.constant 128 : i32
    %mul3A_230 = arith.muli %shift_right_arithmetic3A_228, %mul3A_229 : i32
    %multiple_of3A_231 = tpu.assume_multiple %mul3A_230, 128 : i32
    %dma_start3A_232 = arith.constant 0 : i32
    %dma_start3A_233 = arith.constant 1152 : i32
    %dma_start3A_234 = tpu.memref_slice %arg9[%dma_start3A_232, %dma_start3A_233] : memref<16x2048xf32, #tpu.memory_space<vmem>> -> memref<16x128xf32, #tpu.memory_space<vmem>>
    %dma_start3A_235 = arith.constant 0 : i32
    %dma_start3A_236 = tpu.memref_slice %arg3[%dma_start3A_235, %multiple_of3A_231] : memref<16x1000000xf32, #tpu.memory_space<hbm>> -> memref<16x128xf32, #tpu.memory_space<hbm>>
    %dma_start3A_237 = arith.constant 0 : i32
    %dma_start3A_238 = arith.constant 1152 : i32
    %dma_start3A_239 = tpu.memref_slice %arg9[%dma_start3A_237, %dma_start3A_238] : memref<16x2048xf32, #tpu.memory_space<vmem>> -> memref<16x128xf32, #tpu.memory_space<vmem>>
    %dma_start3A_240 = arith.constant 0 : i32
    %dma_start3A_241 = tpu.memref_slice %arg3[%dma_start3A_240, %multiple_of3A_231] : memref<16x1000000xf32, #tpu.memory_space<hbm>> -> memref<16x128xf32, #tpu.memory_space<hbm>>
    tpu.enqueue_dma source(%dma_start3A_241 : memref<16x128xf32, #tpu.memory_space<hbm>>) target(%dma_start3A_239 : memref<16x128xf32, #tpu.memory_space<vmem>>) target_semaphore(%arg13 : memref<!tpu.dma_semaphore, #tpu.memory_space<semaphore_mem>>)
    %slice3A_242 = vector.extract_strided_slice %get3A_74 {offsets = [10], sizes = [1], strides = [1]} : vector<16xi32> to vector<1xi32>
    %squeeze3A_243 = vector.extract %slice3A_242[0] : i32 from vector<1xi32>
    %shift_right_arithmetic3A_244 = arith.constant 7 : i32
    %shift_right_arithmetic3A_245 = arith.shrsi %squeeze3A_243, %shift_right_arithmetic3A_244 : i32
    %mul3A_246 = arith.constant 128 : i32
    %mul3A_247 = arith.muli %shift_right_arithmetic3A_245, %mul3A_246 : i32
    %multiple_of3A_248 = tpu.assume_multiple %mul3A_247, 128 : i32
    %dma_start3A_249 = arith.constant 0 : i32
    %dma_start3A_250 = arith.constant 1280 : i32
    %dma_start3A_251 = tpu.memref_slice %arg9[%dma_start3A_249, %dma_start3A_250] : memref<16x2048xf32, #tpu.memory_space<vmem>> -> memref<16x128xf32, #tpu.memory_space<vmem>>
    %dma_start3A_252 = arith.constant 0 : i32
    %dma_start3A_253 = tpu.memref_slice %arg3[%dma_start3A_252, %multiple_of3A_248] : memref<16x1000000xf32, #tpu.memory_space<hbm>> -> memref<16x128xf32, #tpu.memory_space<hbm>>
    %dma_start3A_254 = arith.constant 0 : i32
    %dma_start3A_255 = arith.constant 1280 : i32
    %dma_start3A_256 = tpu.memref_slice %arg9[%dma_start3A_254, %dma_start3A_255] : memref<16x2048xf32, #tpu.memory_space<vmem>> -> memref<16x128xf32, #tpu.memory_space<vmem>>
    %dma_start3A_257 = arith.constant 0 : i32
    %dma_start3A_258 = tpu.memref_slice %arg3[%dma_start3A_257, %multiple_of3A_248] : memref<16x1000000xf32, #tpu.memory_space<hbm>> -> memref<16x128xf32, #tpu.memory_space<hbm>>
    tpu.enqueue_dma source(%dma_start3A_258 : memref<16x128xf32, #tpu.memory_space<hbm>>) target(%dma_start3A_256 : memref<16x128xf32, #tpu.memory_space<vmem>>) target_semaphore(%arg13 : memref<!tpu.dma_semaphore, #tpu.memory_space<semaphore_mem>>)
    %slice3A_259 = vector.extract_strided_slice %get3A_74 {offsets = [11], sizes = [1], strides = [1]} : vector<16xi32> to vector<1xi32>
    %squeeze3A_260 = vector.extract %slice3A_259[0] : i32 from vector<1xi32>
    %shift_right_arithmetic3A_261 = arith.constant 7 : i32
    %shift_right_arithmetic3A_262 = arith.shrsi %squeeze3A_260, %shift_right_arithmetic3A_261 : i32
    %mul3A_263 = arith.constant 128 : i32
    %mul3A_264 = arith.muli %shift_right_arithmetic3A_262, %mul3A_263 : i32
    %multiple_of3A_265 = tpu.assume_multiple %mul3A_264, 128 : i32
    %dma_start3A_266 = arith.constant 0 : i32
    %dma_start3A_267 = arith.constant 1408 : i32
    %dma_start3A_268 = tpu.memref_slice %arg9[%dma_start3A_266, %dma_start3A_267] : memref<16x2048xf32, #tpu.memory_space<vmem>> -> memref<16x128xf32, #tpu.memory_space<vmem>>
    %dma_start3A_269 = arith.constant 0 : i32
    %dma_start3A_270 = tpu.memref_slice %arg3[%dma_start3A_269, %multiple_of3A_265] : memref<16x1000000xf32, #tpu.memory_space<hbm>> -> memref<16x128xf32, #tpu.memory_space<hbm>>
    %dma_start3A_271 = arith.constant 0 : i32
    %dma_start3A_272 = arith.constant 1408 : i32
    %dma_start3A_273 = tpu.memref_slice %arg9[%dma_start3A_271, %dma_start3A_272] : memref<16x2048xf32, #tpu.memory_space<vmem>> -> memref<16x128xf32, #tpu.memory_space<vmem>>
    %dma_start3A_274 = arith.constant 0 : i32
    %dma_start3A_275 = tpu.memref_slice %arg3[%dma_start3A_274, %multiple_of3A_265] : memref<16x1000000xf32, #tpu.memory_space<hbm>> -> memref<16x128xf32, #tpu.memory_space<hbm>>
    tpu.enqueue_dma source(%dma_start3A_275 : memref<16x128xf32, #tpu.memory_space<hbm>>) target(%dma_start3A_273 : memref<16x128xf32, #tpu.memory_space<vmem>>) target_semaphore(%arg13 : memref<!tpu.dma_semaphore, #tpu.memory_space<semaphore_mem>>)
    %slice3A_276 = vector.extract_strided_slice %get3A_74 {offsets = [12], sizes = [1], strides = [1]} : vector<16xi32> to vector<1xi32>
    %squeeze3A_277 = vector.extract %slice3A_276[0] : i32 from vector<1xi32>
    %shift_right_arithmetic3A_278 = arith.constant 7 : i32
    %shift_right_arithmetic3A_279 = arith.shrsi %squeeze3A_277, %shift_right_arithmetic3A_278 : i32
    %mul3A_280 = arith.constant 128 : i32
    %mul3A_281 = arith.muli %shift_right_arithmetic3A_279, %mul3A_280 : i32
    %multiple_of3A_282 = tpu.assume_multiple %mul3A_281, 128 : i32
    %dma_start3A_283 = arith.constant 0 : i32
    %dma_start3A_284 = arith.constant 1536 : i32
    %dma_start3A_285 = tpu.memref_slice %arg9[%dma_start3A_283, %dma_start3A_284] : memref<16x2048xf32, #tpu.memory_space<vmem>> -> memref<16x128xf32, #tpu.memory_space<vmem>>
    %dma_start3A_286 = arith.constant 0 : i32
    %dma_start3A_287 = tpu.memref_slice %arg3[%dma_start3A_286, %multiple_of3A_282] : memref<16x1000000xf32, #tpu.memory_space<hbm>> -> memref<16x128xf32, #tpu.memory_space<hbm>>
    %dma_start3A_288 = arith.constant 0 : i32
    %dma_start3A_289 = arith.constant 1536 : i32
    %dma_start3A_290 = tpu.memref_slice %arg9[%dma_start3A_288, %dma_start3A_289] : memref<16x2048xf32, #tpu.memory_space<vmem>> -> memref<16x128xf32, #tpu.memory_space<vmem>>
    %dma_start3A_291 = arith.constant 0 : i32
    %dma_start3A_292 = tpu.memref_slice %arg3[%dma_start3A_291, %multiple_of3A_282] : memref<16x1000000xf32, #tpu.memory_space<hbm>> -> memref<16x128xf32, #tpu.memory_space<hbm>>
    tpu.enqueue_dma source(%dma_start3A_292 : memref<16x128xf32, #tpu.memory_space<hbm>>) target(%dma_start3A_290 : memref<16x128xf32, #tpu.memory_space<vmem>>) target_semaphore(%arg13 : memref<!tpu.dma_semaphore, #tpu.memory_space<semaphore_mem>>)
    %slice3A_293 = vector.extract_strided_slice %get3A_74 {offsets = [13], sizes = [1], strides = [1]} : vector<16xi32> to vector<1xi32>
    %squeeze3A_294 = vector.extract %slice3A_293[0] : i32 from vector<1xi32>
    %shift_right_arithmetic3A_295 = arith.constant 7 : i32
    %shift_right_arithmetic3A_296 = arith.shrsi %squeeze3A_294, %shift_right_arithmetic3A_295 : i32
    %mul3A_297 = arith.constant 128 : i32
    %mul3A_298 = arith.muli %shift_right_arithmetic3A_296, %mul3A_297 : i32
    %multiple_of3A_299 = tpu.assume_multiple %mul3A_298, 128 : i32
    %dma_start3A_300 = arith.constant 0 : i32
    %dma_start3A_301 = arith.constant 1664 : i32
    %dma_start3A_302 = tpu.memref_slice %arg9[%dma_start3A_300, %dma_start3A_301] : memref<16x2048xf32, #tpu.memory_space<vmem>> -> memref<16x128xf32, #tpu.memory_space<vmem>>
    %dma_start3A_303 = arith.constant 0 : i32
    %dma_start3A_304 = tpu.memref_slice %arg3[%dma_start3A_303, %multiple_of3A_299] : memref<16x1000000xf32, #tpu.memory_space<hbm>> -> memref<16x128xf32, #tpu.memory_space<hbm>>
    %dma_start3A_305 = arith.constant 0 : i32
    %dma_start3A_306 = arith.constant 1664 : i32
    %dma_start3A_307 = tpu.memref_slice %arg9[%dma_start3A_305, %dma_start3A_306] : memref<16x2048xf32, #tpu.memory_space<vmem>> -> memref<16x128xf32, #tpu.memory_space<vmem>>
    %dma_start3A_308 = arith.constant 0 : i32
    %dma_start3A_309 = tpu.memref_slice %arg3[%dma_start3A_308, %multiple_of3A_299] : memref<16x1000000xf32, #tpu.memory_space<hbm>> -> memref<16x128xf32, #tpu.memory_space<hbm>>
    tpu.enqueue_dma source(%dma_start3A_309 : memref<16x128xf32, #tpu.memory_space<hbm>>) target(%dma_start3A_307 : memref<16x128xf32, #tpu.memory_space<vmem>>) target_semaphore(%arg13 : memref<!tpu.dma_semaphore, #tpu.memory_space<semaphore_mem>>)
    %slice3A_310 = vector.extract_strided_slice %get3A_74 {offsets = [14], sizes = [1], strides = [1]} : vector<16xi32> to vector<1xi32>
    %squeeze3A_311 = vector.extract %slice3A_310[0] : i32 from vector<1xi32>
    %shift_right_arithmetic3A_312 = arith.constant 7 : i32
    %shift_right_arithmetic3A_313 = arith.shrsi %squeeze3A_311, %shift_right_arithmetic3A_312 : i32
    %mul3A_314 = arith.constant 128 : i32
    %mul3A_315 = arith.muli %shift_right_arithmetic3A_313, %mul3A_314 : i32
    %multiple_of3A_316 = tpu.assume_multiple %mul3A_315, 128 : i32
    %dma_start3A_317 = arith.constant 0 : i32
    %dma_start3A_318 = arith.constant 1792 : i32
    %dma_start3A_319 = tpu.memref_slice %arg9[%dma_start3A_317, %dma_start3A_318] : memref<16x2048xf32, #tpu.memory_space<vmem>> -> memref<16x128xf32, #tpu.memory_space<vmem>>
    %dma_start3A_320 = arith.constant 0 : i32
    %dma_start3A_321 = tpu.memref_slice %arg3[%dma_start3A_320, %multiple_of3A_316] : memref<16x1000000xf32, #tpu.memory_space<hbm>> -> memref<16x128xf32, #tpu.memory_space<hbm>>
    %dma_start3A_322 = arith.constant 0 : i32
    %dma_start3A_323 = arith.constant 1792 : i32
    %dma_start3A_324 = tpu.memref_slice %arg9[%dma_start3A_322, %dma_start3A_323] : memref<16x2048xf32, #tpu.memory_space<vmem>> -> memref<16x128xf32, #tpu.memory_space<vmem>>
    %dma_start3A_325 = arith.constant 0 : i32
    %dma_start3A_326 = tpu.memref_slice %arg3[%dma_start3A_325, %multiple_of3A_316] : memref<16x1000000xf32, #tpu.memory_space<hbm>> -> memref<16x128xf32, #tpu.memory_space<hbm>>
    tpu.enqueue_dma source(%dma_start3A_326 : memref<16x128xf32, #tpu.memory_space<hbm>>) target(%dma_start3A_324 : memref<16x128xf32, #tpu.memory_space<vmem>>) target_semaphore(%arg13 : memref<!tpu.dma_semaphore, #tpu.memory_space<semaphore_mem>>)
    %slice3A_327 = vector.extract_strided_slice %get3A_74 {offsets = [15], sizes = [1], strides = [1]} : vector<16xi32> to vector<1xi32>
    %squeeze3A_328 = vector.extract %slice3A_327[0] : i32 from vector<1xi32>
    %shift_right_arithmetic3A_329 = arith.constant 7 : i32
    %shift_right_arithmetic3A_330 = arith.shrsi %squeeze3A_328, %shift_right_arithmetic3A_329 : i32
    %mul3A_331 = arith.constant 128 : i32
    %mul3A_332 = arith.muli %shift_right_arithmetic3A_330, %mul3A_331 : i32
    %multiple_of3A_333 = tpu.assume_multiple %mul3A_332, 128 : i32
    %dma_start3A_334 = arith.constant 0 : i32
    %dma_start3A_335 = arith.constant 1920 : i32
    %dma_start3A_336 = tpu.memref_slice %arg9[%dma_start3A_334, %dma_start3A_335] : memref<16x2048xf32, #tpu.memory_space<vmem>> -> memref<16x128xf32, #tpu.memory_space<vmem>>
    %dma_start3A_337 = arith.constant 0 : i32
    %dma_start3A_338 = tpu.memref_slice %arg3[%dma_start3A_337, %multiple_of3A_333] : memref<16x1000000xf32, #tpu.memory_space<hbm>> -> memref<16x128xf32, #tpu.memory_space<hbm>>
    %dma_start3A_339 = arith.constant 0 : i32
    %dma_start3A_340 = arith.constant 1920 : i32
    %dma_start3A_341 = tpu.memref_slice %arg9[%dma_start3A_339, %dma_start3A_340] : memref<16x2048xf32, #tpu.memory_space<vmem>> -> memref<16x128xf32, #tpu.memory_space<vmem>>
    %dma_start3A_342 = arith.constant 0 : i32
    %dma_start3A_343 = tpu.memref_slice %arg3[%dma_start3A_342, %multiple_of3A_333] : memref<16x1000000xf32, #tpu.memory_space<hbm>> -> memref<16x128xf32, #tpu.memory_space<hbm>>
    tpu.enqueue_dma source(%dma_start3A_343 : memref<16x128xf32, #tpu.memory_space<hbm>>) target(%dma_start3A_341 : memref<16x128xf32, #tpu.memory_space<vmem>>) target_semaphore(%arg13 : memref<!tpu.dma_semaphore, #tpu.memory_space<semaphore_mem>>)
    %scan3A = arith.constant 0 : i32
    %scan3A_344 = arith.constant 0 : i32
    %scan3A_345 = arith.constant 32 : i32
    %scan3A_346 = arith.addi %scan3A_344, %scan3A_345 : i32
    %scan3A_347 = arith.constant 1 : i32
    scf.for %scan3A_349 = %scan3A_344 to %scan3A_346 step %scan3A_347  : i32 {
      %mul3A_350 = arith.constant 16 : i32
      %mul3A_351 = arith.muli %scan3A_349, %mul3A_350 : i32
      %mul3A_352 = arith.constant 16 : i32
      %mul3A_353 = arith.muli %scan3A_349, %mul3A_352 : i32
      %get3A_354 = arith.index_cast %mul3A_353 : i32 to index
      %get3A_355 = tpu.vector_load %arg8[%get3A_354] {strides = array<i32>} : memref<512xi32, #tpu.memory_space<vmem>>, vector<16xi32>,
      %slice3A_356 = vector.extract_strided_slice %get3A_355 {offsets = [0], sizes = [1], strides = [1]} : vector<16xi32> to vector<1xi32>
      %squeeze3A_357 = vector.extract %slice3A_356[0] : i32 from vector<1xi32>
      %shift_right_arithmetic3A_358 = arith.constant 7 : i32
      %shift_right_arithmetic3A_359 = arith.shrsi %squeeze3A_357, %shift_right_arithmetic3A_358 : i32
      %mul3A_360 = arith.constant 128 : i32
      %mul3A_361 = arith.muli %shift_right_arithmetic3A_359, %mul3A_360 : i32
      %multiple_of3A_362 = tpu.assume_multiple %mul3A_361, 128 : i32
      %dma_start3A_363 = arith.constant 0 : i32
      %dma_start3A_364 = arith.constant 0 : i32
      %dma_start3A_365 = tpu.memref_slice %arg10[%dma_start3A_363, %dma_start3A_364] : memref<16x2048xf32, #tpu.memory_space<vmem>> -> memref<16x128xf32, #tpu.memory_space<vmem>>
      %dma_start3A_366 = arith.constant 0 : i32
      %dma_start3A_367 = tpu.memref_slice %arg4[%dma_start3A_366, %multiple_of3A_362] : memref<16x1000000xf32, #tpu.memory_space<hbm>> -> memref<16x128xf32, #tpu.memory_space<hbm>>
      %dma_start3A_368 = arith.constant 0 : i32
      %dma_start3A_369 = arith.constant 0 : i32
      %dma_start3A_370 = tpu.memref_slice %arg10[%dma_start3A_368, %dma_start3A_369] : memref<16x2048xf32, #tpu.memory_space<vmem>> -> memref<16x128xf32, #tpu.memory_space<vmem>>
      %dma_start3A_371 = arith.constant 0 : i32
      %dma_start3A_372 = tpu.memref_slice %arg4[%dma_start3A_371, %multiple_of3A_362] : memref<16x1000000xf32, #tpu.memory_space<hbm>> -> memref<16x128xf32, #tpu.memory_space<hbm>>
      tpu.enqueue_dma source(%dma_start3A_372 : memref<16x128xf32, #tpu.memory_space<hbm>>) target(%dma_start3A_370 : memref<16x128xf32, #tpu.memory_space<vmem>>) target_semaphore(%arg14 : memref<!tpu.dma_semaphore, #tpu.memory_space<semaphore_mem>>)
      %slice3A_373 = vector.extract_strided_slice %get3A_355 {offsets = [1], sizes = [1], strides = [1]} : vector<16xi32> to vector<1xi32>
      %squeeze3A_374 = vector.extract %slice3A_373[0] : i32 from vector<1xi32>
      %shift_right_arithmetic3A_375 = arith.constant 7 : i32
      %shift_right_arithmetic3A_376 = arith.shrsi %squeeze3A_374, %shift_right_arithmetic3A_375 : i32
      %mul3A_377 = arith.constant 128 : i32
      %mul3A_378 = arith.muli %shift_right_arithmetic3A_376, %mul3A_377 : i32
      %multiple_of3A_379 = tpu.assume_multiple %mul3A_378, 128 : i32
      %dma_start3A_380 = arith.constant 0 : i32
      %dma_start3A_381 = arith.constant 128 : i32
      %dma_start3A_382 = tpu.memref_slice %arg10[%dma_start3A_380, %dma_start3A_381] : memref<16x2048xf32, #tpu.memory_space<vmem>> -> memref<16x128xf32, #tpu.memory_space<vmem>>
      %dma_start3A_383 = arith.constant 0 : i32
      %dma_start3A_384 = tpu.memref_slice %arg4[%dma_start3A_383, %multiple_of3A_379] : memref<16x1000000xf32, #tpu.memory_space<hbm>> -> memref<16x128xf32, #tpu.memory_space<hbm>>
      %dma_start3A_385 = arith.constant 0 : i32
      %dma_start3A_386 = arith.constant 128 : i32
      %dma_start3A_387 = tpu.memref_slice %arg10[%dma_start3A_385, %dma_start3A_386] : memref<16x2048xf32, #tpu.memory_space<vmem>> -> memref<16x128xf32, #tpu.memory_space<vmem>>
      %dma_start3A_388 = arith.constant 0 : i32
      %dma_start3A_389 = tpu.memref_slice %arg4[%dma_start3A_388, %multiple_of3A_379] : memref<16x1000000xf32, #tpu.memory_space<hbm>> -> memref<16x128xf32, #tpu.memory_space<hbm>>
      tpu.enqueue_dma source(%dma_start3A_389 : memref<16x128xf32, #tpu.memory_space<hbm>>) target(%dma_start3A_387 : memref<16x128xf32, #tpu.memory_space<vmem>>) target_semaphore(%arg14 : memref<!tpu.dma_semaphore, #tpu.memory_space<semaphore_mem>>)
      %slice3A_390 = vector.extract_strided_slice %get3A_355 {offsets = [2], sizes = [1], strides = [1]} : vector<16xi32> to vector<1xi32>
      %squeeze3A_391 = vector.extract %slice3A_390[0] : i32 from vector<1xi32>
      %shift_right_arithmetic3A_392 = arith.constant 7 : i32
      %shift_right_arithmetic3A_393 = arith.shrsi %squeeze3A_391, %shift_right_arithmetic3A_392 : i32
      %mul3A_394 = arith.constant 128 : i32
      %mul3A_395 = arith.muli %shift_right_arithmetic3A_393, %mul3A_394 : i32
      %multiple_of3A_396 = tpu.assume_multiple %mul3A_395, 128 : i32
      %dma_start3A_397 = arith.constant 0 : i32
      %dma_start3A_398 = arith.constant 256 : i32
      %dma_start3A_399 = tpu.memref_slice %arg10[%dma_start3A_397, %dma_start3A_398] : memref<16x2048xf32, #tpu.memory_space<vmem>> -> memref<16x128xf32, #tpu.memory_space<vmem>>
      %dma_start3A_400 = arith.constant 0 : i32
      %dma_start3A_401 = tpu.memref_slice %arg4[%dma_start3A_400, %multiple_of3A_396] : memref<16x1000000xf32, #tpu.memory_space<hbm>> -> memref<16x128xf32, #tpu.memory_space<hbm>>
      %dma_start3A_402 = arith.constant 0 : i32
      %dma_start3A_403 = arith.constant 256 : i32
      %dma_start3A_404 = tpu.memref_slice %arg10[%dma_start3A_402, %dma_start3A_403] : memref<16x2048xf32, #tpu.memory_space<vmem>> -> memref<16x128xf32, #tpu.memory_space<vmem>>
      %dma_start3A_405 = arith.constant 0 : i32
      %dma_start3A_406 = tpu.memref_slice %arg4[%dma_start3A_405, %multiple_of3A_396] : memref<16x1000000xf32, #tpu.memory_space<hbm>> -> memref<16x128xf32, #tpu.memory_space<hbm>>
      tpu.enqueue_dma source(%dma_start3A_406 : memref<16x128xf32, #tpu.memory_space<hbm>>) target(%dma_start3A_404 : memref<16x128xf32, #tpu.memory_space<vmem>>) target_semaphore(%arg14 : memref<!tpu.dma_semaphore, #tpu.memory_space<semaphore_mem>>)
      %slice3A_407 = vector.extract_strided_slice %get3A_355 {offsets = [3], sizes = [1], strides = [1]} : vector<16xi32> to vector<1xi32>
      %squeeze3A_408 = vector.extract %slice3A_407[0] : i32 from vector<1xi32>
      %shift_right_arithmetic3A_409 = arith.constant 7 : i32
      %shift_right_arithmetic3A_410 = arith.shrsi %squeeze3A_408, %shift_right_arithmetic3A_409 : i32
      %mul3A_411 = arith.constant 128 : i32
      %mul3A_412 = arith.muli %shift_right_arithmetic3A_410, %mul3A_411 : i32
      %multiple_of3A_413 = tpu.assume_multiple %mul3A_412, 128 : i32
      %dma_start3A_414 = arith.constant 0 : i32
      %dma_start3A_415 = arith.constant 384 : i32
      %dma_start3A_416 = tpu.memref_slice %arg10[%dma_start3A_414, %dma_start3A_415] : memref<16x2048xf32, #tpu.memory_space<vmem>> -> memref<16x128xf32, #tpu.memory_space<vmem>>
      %dma_start3A_417 = arith.constant 0 : i32
      %dma_start3A_418 = tpu.memref_slice %arg4[%dma_start3A_417, %multiple_of3A_413] : memref<16x1000000xf32, #tpu.memory_space<hbm>> -> memref<16x128xf32, #tpu.memory_space<hbm>>
      %dma_start3A_419 = arith.constant 0 : i32
      %dma_start3A_420 = arith.constant 384 : i32
      %dma_start3A_421 = tpu.memref_slice %arg10[%dma_start3A_419, %dma_start3A_420] : memref<16x2048xf32, #tpu.memory_space<vmem>> -> memref<16x128xf32, #tpu.memory_space<vmem>>
      %dma_start3A_422 = arith.constant 0 : i32
      %dma_start3A_423 = tpu.memref_slice %arg4[%dma_start3A_422, %multiple_of3A_413] : memref<16x1000000xf32, #tpu.memory_space<hbm>> -> memref<16x128xf32, #tpu.memory_space<hbm>>
      tpu.enqueue_dma source(%dma_start3A_423 : memref<16x128xf32, #tpu.memory_space<hbm>>) target(%dma_start3A_421 : memref<16x128xf32, #tpu.memory_space<vmem>>) target_semaphore(%arg14 : memref<!tpu.dma_semaphore, #tpu.memory_space<semaphore_mem>>)
      %slice3A_424 = vector.extract_strided_slice %get3A_355 {offsets = [4], sizes = [1], strides = [1]} : vector<16xi32> to vector<1xi32>
      %squeeze3A_425 = vector.extract %slice3A_424[0] : i32 from vector<1xi32>
      %shift_right_arithmetic3A_426 = arith.constant 7 : i32
      %shift_right_arithmetic3A_427 = arith.shrsi %squeeze3A_425, %shift_right_arithmetic3A_426 : i32
      %mul3A_428 = arith.constant 128 : i32
      %mul3A_429 = arith.muli %shift_right_arithmetic3A_427, %mul3A_428 : i32
      %multiple_of3A_430 = tpu.assume_multiple %mul3A_429, 128 : i32
      %dma_start3A_431 = arith.constant 0 : i32
      %dma_start3A_432 = arith.constant 512 : i32
      %dma_start3A_433 = tpu.memref_slice %arg10[%dma_start3A_431, %dma_start3A_432] : memref<16x2048xf32, #tpu.memory_space<vmem>> -> memref<16x128xf32, #tpu.memory_space<vmem>>
      %dma_start3A_434 = arith.constant 0 : i32
      %dma_start3A_435 = tpu.memref_slice %arg4[%dma_start3A_434, %multiple_of3A_430] : memref<16x1000000xf32, #tpu.memory_space<hbm>> -> memref<16x128xf32, #tpu.memory_space<hbm>>
      %dma_start3A_436 = arith.constant 0 : i32
      %dma_start3A_437 = arith.constant 512 : i32
      %dma_start3A_438 = tpu.memref_slice %arg10[%dma_start3A_436, %dma_start3A_437] : memref<16x2048xf32, #tpu.memory_space<vmem>> -> memref<16x128xf32, #tpu.memory_space<vmem>>
      %dma_start3A_439 = arith.constant 0 : i32
      %dma_start3A_440 = tpu.memref_slice %arg4[%dma_start3A_439, %multiple_of3A_430] : memref<16x1000000xf32, #tpu.memory_space<hbm>> -> memref<16x128xf32, #tpu.memory_space<hbm>>
      tpu.enqueue_dma source(%dma_start3A_440 : memref<16x128xf32, #tpu.memory_space<hbm>>) target(%dma_start3A_438 : memref<16x128xf32, #tpu.memory_space<vmem>>) target_semaphore(%arg14 : memref<!tpu.dma_semaphore, #tpu.memory_space<semaphore_mem>>)
      %slice3A_441 = vector.extract_strided_slice %get3A_355 {offsets = [5], sizes = [1], strides = [1]} : vector<16xi32> to vector<1xi32>
      %squeeze3A_442 = vector.extract %slice3A_441[0] : i32 from vector<1xi32>
      %shift_right_arithmetic3A_443 = arith.constant 7 : i32
      %shift_right_arithmetic3A_444 = arith.shrsi %squeeze3A_442, %shift_right_arithmetic3A_443 : i32
      %mul3A_445 = arith.constant 128 : i32
      %mul3A_446 = arith.muli %shift_right_arithmetic3A_444, %mul3A_445 : i32
      %multiple_of3A_447 = tpu.assume_multiple %mul3A_446, 128 : i32
      %dma_start3A_448 = arith.constant 0 : i32
      %dma_start3A_449 = arith.constant 640 : i32
      %dma_start3A_450 = tpu.memref_slice %arg10[%dma_start3A_448, %dma_start3A_449] : memref<16x2048xf32, #tpu.memory_space<vmem>> -> memref<16x128xf32, #tpu.memory_space<vmem>>
      %dma_start3A_451 = arith.constant 0 : i32
      %dma_start3A_452 = tpu.memref_slice %arg4[%dma_start3A_451, %multiple_of3A_447] : memref<16x1000000xf32, #tpu.memory_space<hbm>> -> memref<16x128xf32, #tpu.memory_space<hbm>>
      %dma_start3A_453 = arith.constant 0 : i32
      %dma_start3A_454 = arith.constant 640 : i32
      %dma_start3A_455 = tpu.memref_slice %arg10[%dma_start3A_453, %dma_start3A_454] : memref<16x2048xf32, #tpu.memory_space<vmem>> -> memref<16x128xf32, #tpu.memory_space<vmem>>
      %dma_start3A_456 = arith.constant 0 : i32
      %dma_start3A_457 = tpu.memref_slice %arg4[%dma_start3A_456, %multiple_of3A_447] : memref<16x1000000xf32, #tpu.memory_space<hbm>> -> memref<16x128xf32, #tpu.memory_space<hbm>>
      tpu.enqueue_dma source(%dma_start3A_457 : memref<16x128xf32, #tpu.memory_space<hbm>>) target(%dma_start3A_455 : memref<16x128xf32, #tpu.memory_space<vmem>>) target_semaphore(%arg14 : memref<!tpu.dma_semaphore, #tpu.memory_space<semaphore_mem>>)
      %slice3A_458 = vector.extract_strided_slice %get3A_355 {offsets = [6], sizes = [1], strides = [1]} : vector<16xi32> to vector<1xi32>
      %squeeze3A_459 = vector.extract %slice3A_458[0] : i32 from vector<1xi32>
      %shift_right_arithmetic3A_460 = arith.constant 7 : i32
      %shift_right_arithmetic3A_461 = arith.shrsi %squeeze3A_459, %shift_right_arithmetic3A_460 : i32
      %mul3A_462 = arith.constant 128 : i32
      %mul3A_463 = arith.muli %shift_right_arithmetic3A_461, %mul3A_462 : i32
      %multiple_of3A_464 = tpu.assume_multiple %mul3A_463, 128 : i32
      %dma_start3A_465 = arith.constant 0 : i32
      %dma_start3A_466 = arith.constant 768 : i32
      %dma_start3A_467 = tpu.memref_slice %arg10[%dma_start3A_465, %dma_start3A_466] : memref<16x2048xf32, #tpu.memory_space<vmem>> -> memref<16x128xf32, #tpu.memory_space<vmem>>
      %dma_start3A_468 = arith.constant 0 : i32
      %dma_start3A_469 = tpu.memref_slice %arg4[%dma_start3A_468, %multiple_of3A_464] : memref<16x1000000xf32, #tpu.memory_space<hbm>> -> memref<16x128xf32, #tpu.memory_space<hbm>>
      %dma_start3A_470 = arith.constant 0 : i32
      %dma_start3A_471 = arith.constant 768 : i32
      %dma_start3A_472 = tpu.memref_slice %arg10[%dma_start3A_470, %dma_start3A_471] : memref<16x2048xf32, #tpu.memory_space<vmem>> -> memref<16x128xf32, #tpu.memory_space<vmem>>
      %dma_start3A_473 = arith.constant 0 : i32
      %dma_start3A_474 = tpu.memref_slice %arg4[%dma_start3A_473, %multiple_of3A_464] : memref<16x1000000xf32, #tpu.memory_space<hbm>> -> memref<16x128xf32, #tpu.memory_space<hbm>>
      tpu.enqueue_dma source(%dma_start3A_474 : memref<16x128xf32, #tpu.memory_space<hbm>>) target(%dma_start3A_472 : memref<16x128xf32, #tpu.memory_space<vmem>>) target_semaphore(%arg14 : memref<!tpu.dma_semaphore, #tpu.memory_space<semaphore_mem>>)
      %slice3A_475 = vector.extract_strided_slice %get3A_355 {offsets = [7], sizes = [1], strides = [1]} : vector<16xi32> to vector<1xi32>
      %squeeze3A_476 = vector.extract %slice3A_475[0] : i32 from vector<1xi32>
      %shift_right_arithmetic3A_477 = arith.constant 7 : i32
      %shift_right_arithmetic3A_478 = arith.shrsi %squeeze3A_476, %shift_right_arithmetic3A_477 : i32
      %mul3A_479 = arith.constant 128 : i32
      %mul3A_480 = arith.muli %shift_right_arithmetic3A_478, %mul3A_479 : i32
      %multiple_of3A_481 = tpu.assume_multiple %mul3A_480, 128 : i32
      %dma_start3A_482 = arith.constant 0 : i32
      %dma_start3A_483 = arith.constant 896 : i32
      %dma_start3A_484 = tpu.memref_slice %arg10[%dma_start3A_482, %dma_start3A_483] : memref<16x2048xf32, #tpu.memory_space<vmem>> -> memref<16x128xf32, #tpu.memory_space<vmem>>
      %dma_start3A_485 = arith.constant 0 : i32
      %dma_start3A_486 = tpu.memref_slice %arg4[%dma_start3A_485, %multiple_of3A_481] : memref<16x1000000xf32, #tpu.memory_space<hbm>> -> memref<16x128xf32, #tpu.memory_space<hbm>>
      %dma_start3A_487 = arith.constant 0 : i32
      %dma_start3A_488 = arith.constant 896 : i32
      %dma_start3A_489 = tpu.memref_slice %arg10[%dma_start3A_487, %dma_start3A_488] : memref<16x2048xf32, #tpu.memory_space<vmem>> -> memref<16x128xf32, #tpu.memory_space<vmem>>
      %dma_start3A_490 = arith.constant 0 : i32
      %dma_start3A_491 = tpu.memref_slice %arg4[%dma_start3A_490, %multiple_of3A_481] : memref<16x1000000xf32, #tpu.memory_space<hbm>> -> memref<16x128xf32, #tpu.memory_space<hbm>>
      tpu.enqueue_dma source(%dma_start3A_491 : memref<16x128xf32, #tpu.memory_space<hbm>>) target(%dma_start3A_489 : memref<16x128xf32, #tpu.memory_space<vmem>>) target_semaphore(%arg14 : memref<!tpu.dma_semaphore, #tpu.memory_space<semaphore_mem>>)
      %slice3A_492 = vector.extract_strided_slice %get3A_355 {offsets = [8], sizes = [1], strides = [1]} : vector<16xi32> to vector<1xi32>
      %squeeze3A_493 = vector.extract %slice3A_492[0] : i32 from vector<1xi32>
      %shift_right_arithmetic3A_494 = arith.constant 7 : i32
      %shift_right_arithmetic3A_495 = arith.shrsi %squeeze3A_493, %shift_right_arithmetic3A_494 : i32
      %mul3A_496 = arith.constant 128 : i32
      %mul3A_497 = arith.muli %shift_right_arithmetic3A_495, %mul3A_496 : i32
      %multiple_of3A_498 = tpu.assume_multiple %mul3A_497, 128 : i32
      %dma_start3A_499 = arith.constant 0 : i32
      %dma_start3A_500 = arith.constant 1024 : i32
      %dma_start3A_501 = tpu.memref_slice %arg10[%dma_start3A_499, %dma_start3A_500] : memref<16x2048xf32, #tpu.memory_space<vmem>> -> memref<16x128xf32, #tpu.memory_space<vmem>>
      %dma_start3A_502 = arith.constant 0 : i32
      %dma_start3A_503 = tpu.memref_slice %arg4[%dma_start3A_502, %multiple_of3A_498] : memref<16x1000000xf32, #tpu.memory_space<hbm>> -> memref<16x128xf32, #tpu.memory_space<hbm>>
      %dma_start3A_504 = arith.constant 0 : i32
      %dma_start3A_505 = arith.constant 1024 : i32
      %dma_start3A_506 = tpu.memref_slice %arg10[%dma_start3A_504, %dma_start3A_505] : memref<16x2048xf32, #tpu.memory_space<vmem>> -> memref<16x128xf32, #tpu.memory_space<vmem>>
      %dma_start3A_507 = arith.constant 0 : i32
      %dma_start3A_508 = tpu.memref_slice %arg4[%dma_start3A_507, %multiple_of3A_498] : memref<16x1000000xf32, #tpu.memory_space<hbm>> -> memref<16x128xf32, #tpu.memory_space<hbm>>
      tpu.enqueue_dma source(%dma_start3A_508 : memref<16x128xf32, #tpu.memory_space<hbm>>) target(%dma_start3A_506 : memref<16x128xf32, #tpu.memory_space<vmem>>) target_semaphore(%arg14 : memref<!tpu.dma_semaphore, #tpu.memory_space<semaphore_mem>>)
      %slice3A_509 = vector.extract_strided_slice %get3A_355 {offsets = [9], sizes = [1], strides = [1]} : vector<16xi32> to vector<1xi32>
      %squeeze3A_510 = vector.extract %slice3A_509[0] : i32 from vector<1xi32>
      %shift_right_arithmetic3A_511 = arith.constant 7 : i32
      %shift_right_arithmetic3A_512 = arith.shrsi %squeeze3A_510, %shift_right_arithmetic3A_511 : i32
      %mul3A_513 = arith.constant 128 : i32
      %mul3A_514 = arith.muli %shift_right_arithmetic3A_512, %mul3A_513 : i32
      %multiple_of3A_515 = tpu.assume_multiple %mul3A_514, 128 : i32
      %dma_start3A_516 = arith.constant 0 : i32
      %dma_start3A_517 = arith.constant 1152 : i32
      %dma_start3A_518 = tpu.memref_slice %arg10[%dma_start3A_516, %dma_start3A_517] : memref<16x2048xf32, #tpu.memory_space<vmem>> -> memref<16x128xf32, #tpu.memory_space<vmem>>
      %dma_start3A_519 = arith.constant 0 : i32
      %dma_start3A_520 = tpu.memref_slice %arg4[%dma_start3A_519, %multiple_of3A_515] : memref<16x1000000xf32, #tpu.memory_space<hbm>> -> memref<16x128xf32, #tpu.memory_space<hbm>>
      %dma_start3A_521 = arith.constant 0 : i32
      %dma_start3A_522 = arith.constant 1152 : i32
      %dma_start3A_523 = tpu.memref_slice %arg10[%dma_start3A_521, %dma_start3A_522] : memref<16x2048xf32, #tpu.memory_space<vmem>> -> memref<16x128xf32, #tpu.memory_space<vmem>>
      %dma_start3A_524 = arith.constant 0 : i32
      %dma_start3A_525 = tpu.memref_slice %arg4[%dma_start3A_524, %multiple_of3A_515] : memref<16x1000000xf32, #tpu.memory_space<hbm>> -> memref<16x128xf32, #tpu.memory_space<hbm>>
      tpu.enqueue_dma source(%dma_start3A_525 : memref<16x128xf32, #tpu.memory_space<hbm>>) target(%dma_start3A_523 : memref<16x128xf32, #tpu.memory_space<vmem>>) target_semaphore(%arg14 : memref<!tpu.dma_semaphore, #tpu.memory_space<semaphore_mem>>)
      %slice3A_526 = vector.extract_strided_slice %get3A_355 {offsets = [10], sizes = [1], strides = [1]} : vector<16xi32> to vector<1xi32>
      %squeeze3A_527 = vector.extract %slice3A_526[0] : i32 from vector<1xi32>
      %shift_right_arithmetic3A_528 = arith.constant 7 : i32
      %shift_right_arithmetic3A_529 = arith.shrsi %squeeze3A_527, %shift_right_arithmetic3A_528 : i32
      %mul3A_530 = arith.constant 128 : i32
      %mul3A_531 = arith.muli %shift_right_arithmetic3A_529, %mul3A_530 : i32
      %multiple_of3A_532 = tpu.assume_multiple %mul3A_531, 128 : i32
      %dma_start3A_533 = arith.constant 0 : i32
      %dma_start3A_534 = arith.constant 1280 : i32
      %dma_start3A_535 = tpu.memref_slice %arg10[%dma_start3A_533, %dma_start3A_534] : memref<16x2048xf32, #tpu.memory_space<vmem>> -> memref<16x128xf32, #tpu.memory_space<vmem>>
      %dma_start3A_536 = arith.constant 0 : i32
      %dma_start3A_537 = tpu.memref_slice %arg4[%dma_start3A_536, %multiple_of3A_532] : memref<16x1000000xf32, #tpu.memory_space<hbm>> -> memref<16x128xf32, #tpu.memory_space<hbm>>
      %dma_start3A_538 = arith.constant 0 : i32
      %dma_start3A_539 = arith.constant 1280 : i32
      %dma_start3A_540 = tpu.memref_slice %arg10[%dma_start3A_538, %dma_start3A_539] : memref<16x2048xf32, #tpu.memory_space<vmem>> -> memref<16x128xf32, #tpu.memory_space<vmem>>
      %dma_start3A_541 = arith.constant 0 : i32
      %dma_start3A_542 = tpu.memref_slice %arg4[%dma_start3A_541, %multiple_of3A_532] : memref<16x1000000xf32, #tpu.memory_space<hbm>> -> memref<16x128xf32, #tpu.memory_space<hbm>>
      tpu.enqueue_dma source(%dma_start3A_542 : memref<16x128xf32, #tpu.memory_space<hbm>>) target(%dma_start3A_540 : memref<16x128xf32, #tpu.memory_space<vmem>>) target_semaphore(%arg14 : memref<!tpu.dma_semaphore, #tpu.memory_space<semaphore_mem>>)
      %slice3A_543 = vector.extract_strided_slice %get3A_355 {offsets = [11], sizes = [1], strides = [1]} : vector<16xi32> to vector<1xi32>
      %squeeze3A_544 = vector.extract %slice3A_543[0] : i32 from vector<1xi32>
      %shift_right_arithmetic3A_545 = arith.constant 7 : i32
      %shift_right_arithmetic3A_546 = arith.shrsi %squeeze3A_544, %shift_right_arithmetic3A_545 : i32
      %mul3A_547 = arith.constant 128 : i32
      %mul3A_548 = arith.muli %shift_right_arithmetic3A_546, %mul3A_547 : i32
      %multiple_of3A_549 = tpu.assume_multiple %mul3A_548, 128 : i32
      %dma_start3A_550 = arith.constant 0 : i32
      %dma_start3A_551 = arith.constant 1408 : i32
      %dma_start3A_552 = tpu.memref_slice %arg10[%dma_start3A_550, %dma_start3A_551] : memref<16x2048xf32, #tpu.memory_space<vmem>> -> memref<16x128xf32, #tpu.memory_space<vmem>>
      %dma_start3A_553 = arith.constant 0 : i32
      %dma_start3A_554 = tpu.memref_slice %arg4[%dma_start3A_553, %multiple_of3A_549] : memref<16x1000000xf32, #tpu.memory_space<hbm>> -> memref<16x128xf32, #tpu.memory_space<hbm>>
      %dma_start3A_555 = arith.constant 0 : i32
      %dma_start3A_556 = arith.constant 1408 : i32
      %dma_start3A_557 = tpu.memref_slice %arg10[%dma_start3A_555, %dma_start3A_556] : memref<16x2048xf32, #tpu.memory_space<vmem>> -> memref<16x128xf32, #tpu.memory_space<vmem>>
      %dma_start3A_558 = arith.constant 0 : i32
      %dma_start3A_559 = tpu.memref_slice %arg4[%dma_start3A_558, %multiple_of3A_549] : memref<16x1000000xf32, #tpu.memory_space<hbm>> -> memref<16x128xf32, #tpu.memory_space<hbm>>
      tpu.enqueue_dma source(%dma_start3A_559 : memref<16x128xf32, #tpu.memory_space<hbm>>) target(%dma_start3A_557 : memref<16x128xf32, #tpu.memory_space<vmem>>) target_semaphore(%arg14 : memref<!tpu.dma_semaphore, #tpu.memory_space<semaphore_mem>>)
      %slice3A_560 = vector.extract_strided_slice %get3A_355 {offsets = [12], sizes = [1], strides = [1]} : vector<16xi32> to vector<1xi32>
      %squeeze3A_561 = vector.extract %slice3A_560[0] : i32 from vector<1xi32>
      %shift_right_arithmetic3A_562 = arith.constant 7 : i32
      %shift_right_arithmetic3A_563 = arith.shrsi %squeeze3A_561, %shift_right_arithmetic3A_562 : i32
      %mul3A_564 = arith.constant 128 : i32
      %mul3A_565 = arith.muli %shift_right_arithmetic3A_563, %mul3A_564 : i32
      %multiple_of3A_566 = tpu.assume_multiple %mul3A_565, 128 : i32
      %dma_start3A_567 = arith.constant 0 : i32
      %dma_start3A_568 = arith.constant 1536 : i32
      %dma_start3A_569 = tpu.memref_slice %arg10[%dma_start3A_567, %dma_start3A_568] : memref<16x2048xf32, #tpu.memory_space<vmem>> -> memref<16x128xf32, #tpu.memory_space<vmem>>
      %dma_start3A_570 = arith.constant 0 : i32
      %dma_start3A_571 = tpu.memref_slice %arg4[%dma_start3A_570, %multiple_of3A_566] : memref<16x1000000xf32, #tpu.memory_space<hbm>> -> memref<16x128xf32, #tpu.memory_space<hbm>>
      %dma_start3A_572 = arith.constant 0 : i32
      %dma_start3A_573 = arith.constant 1536 : i32
      %dma_start3A_574 = tpu.memref_slice %arg10[%dma_start3A_572, %dma_start3A_573] : memref<16x2048xf32, #tpu.memory_space<vmem>> -> memref<16x128xf32, #tpu.memory_space<vmem>>
      %dma_start3A_575 = arith.constant 0 : i32
      %dma_start3A_576 = tpu.memref_slice %arg4[%dma_start3A_575, %multiple_of3A_566] : memref<16x1000000xf32, #tpu.memory_space<hbm>> -> memref<16x128xf32, #tpu.memory_space<hbm>>
      tpu.enqueue_dma source(%dma_start3A_576 : memref<16x128xf32, #tpu.memory_space<hbm>>) target(%dma_start3A_574 : memref<16x128xf32, #tpu.memory_space<vmem>>) target_semaphore(%arg14 : memref<!tpu.dma_semaphore, #tpu.memory_space<semaphore_mem>>)
      %slice3A_577 = vector.extract_strided_slice %get3A_355 {offsets = [13], sizes = [1], strides = [1]} : vector<16xi32> to vector<1xi32>
      %squeeze3A_578 = vector.extract %slice3A_577[0] : i32 from vector<1xi32>
      %shift_right_arithmetic3A_579 = arith.constant 7 : i32
      %shift_right_arithmetic3A_580 = arith.shrsi %squeeze3A_578, %shift_right_arithmetic3A_579 : i32
      %mul3A_581 = arith.constant 128 : i32
      %mul3A_582 = arith.muli %shift_right_arithmetic3A_580, %mul3A_581 : i32
      %multiple_of3A_583 = tpu.assume_multiple %mul3A_582, 128 : i32
      %dma_start3A_584 = arith.constant 0 : i32
      %dma_start3A_585 = arith.constant 1664 : i32
      %dma_start3A_586 = tpu.memref_slice %arg10[%dma_start3A_584, %dma_start3A_585] : memref<16x2048xf32, #tpu.memory_space<vmem>> -> memref<16x128xf32, #tpu.memory_space<vmem>>
      %dma_start3A_587 = arith.constant 0 : i32
      %dma_start3A_588 = tpu.memref_slice %arg4[%dma_start3A_587, %multiple_of3A_583] : memref<16x1000000xf32, #tpu.memory_space<hbm>> -> memref<16x128xf32, #tpu.memory_space<hbm>>
      %dma_start3A_589 = arith.constant 0 : i32
      %dma_start3A_590 = arith.constant 1664 : i32
      %dma_start3A_591 = tpu.memref_slice %arg10[%dma_start3A_589, %dma_start3A_590] : memref<16x2048xf32, #tpu.memory_space<vmem>> -> memref<16x128xf32, #tpu.memory_space<vmem>>
      %dma_start3A_592 = arith.constant 0 : i32
      %dma_start3A_593 = tpu.memref_slice %arg4[%dma_start3A_592, %multiple_of3A_583] : memref<16x1000000xf32, #tpu.memory_space<hbm>> -> memref<16x128xf32, #tpu.memory_space<hbm>>
      tpu.enqueue_dma source(%dma_start3A_593 : memref<16x128xf32, #tpu.memory_space<hbm>>) target(%dma_start3A_591 : memref<16x128xf32, #tpu.memory_space<vmem>>) target_semaphore(%arg14 : memref<!tpu.dma_semaphore, #tpu.memory_space<semaphore_mem>>)
      %slice3A_594 = vector.extract_strided_slice %get3A_355 {offsets = [14], sizes = [1], strides = [1]} : vector<16xi32> to vector<1xi32>
      %squeeze3A_595 = vector.extract %slice3A_594[0] : i32 from vector<1xi32>
      %shift_right_arithmetic3A_596 = arith.constant 7 : i32
      %shift_right_arithmetic3A_597 = arith.shrsi %squeeze3A_595, %shift_right_arithmetic3A_596 : i32
      %mul3A_598 = arith.constant 128 : i32
      %mul3A_599 = arith.muli %shift_right_arithmetic3A_597, %mul3A_598 : i32
      %multiple_of3A_600 = tpu.assume_multiple %mul3A_599, 128 : i32
      %dma_start3A_601 = arith.constant 0 : i32
      %dma_start3A_602 = arith.constant 1792 : i32
      %dma_start3A_603 = tpu.memref_slice %arg10[%dma_start3A_601, %dma_start3A_602] : memref<16x2048xf32, #tpu.memory_space<vmem>> -> memref<16x128xf32, #tpu.memory_space<vmem>>
      %dma_start3A_604 = arith.constant 0 : i32
      %dma_start3A_605 = tpu.memref_slice %arg4[%dma_start3A_604, %multiple_of3A_600] : memref<16x1000000xf32, #tpu.memory_space<hbm>> -> memref<16x128xf32, #tpu.memory_space<hbm>>
      %dma_start3A_606 = arith.constant 0 : i32
      %dma_start3A_607 = arith.constant 1792 : i32
      %dma_start3A_608 = tpu.memref_slice %arg10[%dma_start3A_606, %dma_start3A_607] : memref<16x2048xf32, #tpu.memory_space<vmem>> -> memref<16x128xf32, #tpu.memory_space<vmem>>
      %dma_start3A_609 = arith.constant 0 : i32
      %dma_start3A_610 = tpu.memref_slice %arg4[%dma_start3A_609, %multiple_of3A_600] : memref<16x1000000xf32, #tpu.memory_space<hbm>> -> memref<16x128xf32, #tpu.memory_space<hbm>>
      tpu.enqueue_dma source(%dma_start3A_610 : memref<16x128xf32, #tpu.memory_space<hbm>>) target(%dma_start3A_608 : memref<16x128xf32, #tpu.memory_space<vmem>>) target_semaphore(%arg14 : memref<!tpu.dma_semaphore, #tpu.memory_space<semaphore_mem>>)
      %slice3A_611 = vector.extract_strided_slice %get3A_355 {offsets = [15], sizes = [1], strides = [1]} : vector<16xi32> to vector<1xi32>
      %squeeze3A_612 = vector.extract %slice3A_611[0] : i32 from vector<1xi32>
      %shift_right_arithmetic3A_613 = arith.constant 7 : i32
      %shift_right_arithmetic3A_614 = arith.shrsi %squeeze3A_612, %shift_right_arithmetic3A_613 : i32
      %mul3A_615 = arith.constant 128 : i32
      %mul3A_616 = arith.muli %shift_right_arithmetic3A_614, %mul3A_615 : i32
      %multiple_of3A_617 = tpu.assume_multiple %mul3A_616, 128 : i32
      %dma_start3A_618 = arith.constant 0 : i32
      %dma_start3A_619 = arith.constant 1920 : i32
      %dma_start3A_620 = tpu.memref_slice %arg10[%dma_start3A_618, %dma_start3A_619] : memref<16x2048xf32, #tpu.memory_space<vmem>> -> memref<16x128xf32, #tpu.memory_space<vmem>>
      %dma_start3A_621 = arith.constant 0 : i32
      %dma_start3A_622 = tpu.memref_slice %arg4[%dma_start3A_621, %multiple_of3A_617] : memref<16x1000000xf32, #tpu.memory_space<hbm>> -> memref<16x128xf32, #tpu.memory_space<hbm>>
      %dma_start3A_623 = arith.constant 0 : i32
      %dma_start3A_624 = arith.constant 1920 : i32
      %dma_start3A_625 = tpu.memref_slice %arg10[%dma_start3A_623, %dma_start3A_624] : memref<16x2048xf32, #tpu.memory_space<vmem>> -> memref<16x128xf32, #tpu.memory_space<vmem>>
      %dma_start3A_626 = arith.constant 0 : i32
      %dma_start3A_627 = tpu.memref_slice %arg4[%dma_start3A_626, %multiple_of3A_617] : memref<16x1000000xf32, #tpu.memory_space<hbm>> -> memref<16x128xf32, #tpu.memory_space<hbm>>
      tpu.enqueue_dma source(%dma_start3A_627 : memref<16x128xf32, #tpu.memory_space<hbm>>) target(%dma_start3A_625 : memref<16x128xf32, #tpu.memory_space<vmem>>) target_semaphore(%arg14 : memref<!tpu.dma_semaphore, #tpu.memory_space<semaphore_mem>>)
      %dma_wait3A = arith.constant 0 : i32
      %dma_wait3A_628 = arith.constant 0 : i32
      %dma_wait3A_629 = tpu.memref_slice %arg3[%dma_wait3A, %dma_wait3A_628] : memref<16x1000000xf32, #tpu.memory_space<hbm>> -> memref<16x2048xf32, #tpu.memory_space<hbm>>
      %dma_wait3A_630 = arith.constant 0 : i32
      %dma_wait3A_631 = arith.constant 0 : i32
      %dma_wait3A_632 = tpu.memref_slice %arg3[%dma_wait3A_630, %dma_wait3A_631] : memref<16x1000000xf32, #tpu.memory_space<hbm>> -> memref<16x2048xf32, #tpu.memory_space<hbm>>
      tpu.wait_dma2 semaphore(%arg13 : memref<!tpu.dma_semaphore, #tpu.memory_space<semaphore_mem>>) src(%dma_wait3A_632 : memref<16x2048xf32, #tpu.memory_space<hbm>>) dst(%arg9 : memref<16x2048xf32, #tpu.memory_space<vmem>>)
      %get3A_633 = arith.index_cast %mul3A_351 : i32 to index
      %get3A_634 = tpu.vector_load %arg7[%get3A_633] {strides = array<i32>} : memref<512xi32, #tpu.memory_space<vmem>>, vector<16xi32>,
      %and3A = arith.constant 127 : i32
      %and3A_635 = vector.broadcast %and3A : i32 to vector<16xi32>
      %and3A_636 = arith.andi %get3A_634, %and3A_635 : vector<16xi32>
      %mul3A_637 = arith.constant 128 : i32
      %mul3A_638 = vector.broadcast %mul3A_637 : i32 to vector<16xi32>
      %mul3A_639 = arith.muli %iota3A, %mul3A_638 : vector<16xi32>
      %add3A_640 = arith.addi %and3A_636, %mul3A_639 : vector<16xi32>
      %broadcast_in_dim3A = arith.constant 0.000000e+00 : f32
      %broadcast_in_dim3A_641 = vector.broadcast %broadcast_in_dim3A : f32 to vector<16xf32>
      %broadcast_in_dim3A_642 = arith.constant 0 : i32
      %broadcast_in_dim3A_643 = vector.broadcast %broadcast_in_dim3A_642 : i32 to vector<16xi32>
      %gather3A = tpu.vector_load_idx %arg9[%broadcast_in_dim3A_643, %add3A_640] : memref<16x2048xf32, #tpu.memory_space<vmem>>[vector<16xi32>, vector<16xi32>], vector<16xf32>,
      %mul3A_644 = vector.broadcast %squeeze3A : f32 to vector<16xf32>
      %mul3A_645 = arith.mulf %gather3A, %mul3A_644 : vector<16xf32>
      %add3A_646 = arith.addf %broadcast_in_dim3A_641, %mul3A_645 : vector<16xf32>
      %broadcast_in_dim3A_647 = arith.constant 1 : i32
      %broadcast_in_dim3A_648 = vector.broadcast %broadcast_in_dim3A_647 : i32 to vector<16xi32>
      %gather3A_649 = tpu.vector_load_idx %arg9[%broadcast_in_dim3A_648, %add3A_640] : memref<16x2048xf32, #tpu.memory_space<vmem>>[vector<16xi32>, vector<16xi32>], vector<16xf32>,
      %mul3A_650 = vector.broadcast %squeeze3A_10 : f32 to vector<16xf32>
      %mul3A_651 = arith.mulf %gather3A_649, %mul3A_650 : vector<16xf32>
      %add3A_652 = arith.addf %add3A_646, %mul3A_651 : vector<16xf32>
      %broadcast_in_dim3A_653 = arith.constant 2 : i32
      %broadcast_in_dim3A_654 = vector.broadcast %broadcast_in_dim3A_653 : i32 to vector<16xi32>
      %gather3A_655 = tpu.vector_load_idx %arg9[%broadcast_in_dim3A_654, %add3A_640] : memref<16x2048xf32, #tpu.memory_space<vmem>>[vector<16xi32>, vector<16xi32>], vector<16xf32>,
      %mul3A_656 = vector.broadcast %squeeze3A_12 : f32 to vector<16xf32>
      %mul3A_657 = arith.mulf %gather3A_655, %mul3A_656 : vector<16xf32>
      %add3A_658 = arith.addf %add3A_652, %mul3A_657 : vector<16xf32>
      %broadcast_in_dim3A_659 = arith.constant 3 : i32
      %broadcast_in_dim3A_660 = vector.broadcast %broadcast_in_dim3A_659 : i32 to vector<16xi32>
      %gather3A_661 = tpu.vector_load_idx %arg9[%broadcast_in_dim3A_660, %add3A_640] : memref<16x2048xf32, #tpu.memory_space<vmem>>[vector<16xi32>, vector<16xi32>], vector<16xf32>,
      %mul3A_662 = vector.broadcast %squeeze3A_14 : f32 to vector<16xf32>
      %mul3A_663 = arith.mulf %gather3A_661, %mul3A_662 : vector<16xf32>
      %add3A_664 = arith.addf %add3A_658, %mul3A_663 : vector<16xf32>
      %broadcast_in_dim3A_665 = arith.constant 4 : i32
      %broadcast_in_dim3A_666 = vector.broadcast %broadcast_in_dim3A_665 : i32 to vector<16xi32>
      %gather3A_667 = tpu.vector_load_idx %arg9[%broadcast_in_dim3A_666, %add3A_640] : memref<16x2048xf32, #tpu.memory_space<vmem>>[vector<16xi32>, vector<16xi32>], vector<16xf32>,
      %mul3A_668 = vector.broadcast %squeeze3A_16 : f32 to vector<16xf32>
      %mul3A_669 = arith.mulf %gather3A_667, %mul3A_668 : vector<16xf32>
      %add3A_670 = arith.addf %add3A_664, %mul3A_669 : vector<16xf32>
      %broadcast_in_dim3A_671 = arith.constant 5 : i32
      %broadcast_in_dim3A_672 = vector.broadcast %broadcast_in_dim3A_671 : i32 to vector<16xi32>
      %gather3A_673 = tpu.vector_load_idx %arg9[%broadcast_in_dim3A_672, %add3A_640] : memref<16x2048xf32, #tpu.memory_space<vmem>>[vector<16xi32>, vector<16xi32>], vector<16xf32>,
      %mul3A_674 = vector.broadcast %squeeze3A_18 : f32 to vector<16xf32>
      %mul3A_675 = arith.mulf %gather3A_673, %mul3A_674 : vector<16xf32>
      %add3A_676 = arith.addf %add3A_670, %mul3A_675 : vector<16xf32>
      %broadcast_in_dim3A_677 = arith.constant 6 : i32
      %broadcast_in_dim3A_678 = vector.broadcast %broadcast_in_dim3A_677 : i32 to vector<16xi32>
      %gather3A_679 = tpu.vector_load_idx %arg9[%broadcast_in_dim3A_678, %add3A_640] : memref<16x2048xf32, #tpu.memory_space<vmem>>[vector<16xi32>, vector<16xi32>], vector<16xf32>,
      %mul3A_680 = vector.broadcast %squeeze3A_20 : f32 to vector<16xf32>
      %mul3A_681 = arith.mulf %gather3A_679, %mul3A_680 : vector<16xf32>
      %add3A_682 = arith.addf %add3A_676, %mul3A_681 : vector<16xf32>
      %broadcast_in_dim3A_683 = arith.constant 7 : i32
      %broadcast_in_dim3A_684 = vector.broadcast %broadcast_in_dim3A_683 : i32 to vector<16xi32>
      %gather3A_685 = tpu.vector_load_idx %arg9[%broadcast_in_dim3A_684, %add3A_640] : memref<16x2048xf32, #tpu.memory_space<vmem>>[vector<16xi32>, vector<16xi32>], vector<16xf32>,
      %mul3A_686 = vector.broadcast %squeeze3A_22 : f32 to vector<16xf32>
      %mul3A_687 = arith.mulf %gather3A_685, %mul3A_686 : vector<16xf32>
      %add3A_688 = arith.addf %add3A_682, %mul3A_687 : vector<16xf32>
      %broadcast_in_dim3A_689 = arith.constant 8 : i32
      %broadcast_in_dim3A_690 = vector.broadcast %broadcast_in_dim3A_689 : i32 to vector<16xi32>
      %gather3A_691 = tpu.vector_load_idx %arg9[%broadcast_in_dim3A_690, %add3A_640] : memref<16x2048xf32, #tpu.memory_space<vmem>>[vector<16xi32>, vector<16xi32>], vector<16xf32>,
      %mul3A_692 = vector.broadcast %squeeze3A_24 : f32 to vector<16xf32>
      %mul3A_693 = arith.mulf %gather3A_691, %mul3A_692 : vector<16xf32>
      %add3A_694 = arith.addf %add3A_688, %mul3A_693 : vector<16xf32>
      %broadcast_in_dim3A_695 = arith.constant 9 : i32
      %broadcast_in_dim3A_696 = vector.broadcast %broadcast_in_dim3A_695 : i32 to vector<16xi32>
      %gather3A_697 = tpu.vector_load_idx %arg9[%broadcast_in_dim3A_696, %add3A_640] : memref<16x2048xf32, #tpu.memory_space<vmem>>[vector<16xi32>, vector<16xi32>], vector<16xf32>,
      %mul3A_698 = vector.broadcast %squeeze3A_26 : f32 to vector<16xf32>
      %mul3A_699 = arith.mulf %gather3A_697, %mul3A_698 : vector<16xf32>
      %add3A_700 = arith.addf %add3A_694, %mul3A_699 : vector<16xf32>
      %broadcast_in_dim3A_701 = arith.constant 10 : i32
      %broadcast_in_dim3A_702 = vector.broadcast %broadcast_in_dim3A_701 : i32 to vector<16xi32>
      %gather3A_703 = tpu.vector_load_idx %arg9[%broadcast_in_dim3A_702, %add3A_640] : memref<16x2048xf32, #tpu.memory_space<vmem>>[vector<16xi32>, vector<16xi32>], vector<16xf32>,
      %mul3A_704 = vector.broadcast %squeeze3A_28 : f32 to vector<16xf32>
      %mul3A_705 = arith.mulf %gather3A_703, %mul3A_704 : vector<16xf32>
      %add3A_706 = arith.addf %add3A_700, %mul3A_705 : vector<16xf32>
      %broadcast_in_dim3A_707 = arith.constant 11 : i32
      %broadcast_in_dim3A_708 = vector.broadcast %broadcast_in_dim3A_707 : i32 to vector<16xi32>
      %gather3A_709 = tpu.vector_load_idx %arg9[%broadcast_in_dim3A_708, %add3A_640] : memref<16x2048xf32, #tpu.memory_space<vmem>>[vector<16xi32>, vector<16xi32>], vector<16xf32>,
      %mul3A_710 = vector.broadcast %squeeze3A_30 : f32 to vector<16xf32>
      %mul3A_711 = arith.mulf %gather3A_709, %mul3A_710 : vector<16xf32>
      %add3A_712 = arith.addf %add3A_706, %mul3A_711 : vector<16xf32>
      %broadcast_in_dim3A_713 = arith.constant 12 : i32
      %broadcast_in_dim3A_714 = vector.broadcast %broadcast_in_dim3A_713 : i32 to vector<16xi32>
      %gather3A_715 = tpu.vector_load_idx %arg9[%broadcast_in_dim3A_714, %add3A_640] : memref<16x2048xf32, #tpu.memory_space<vmem>>[vector<16xi32>, vector<16xi32>], vector<16xf32>,
      %mul3A_716 = vector.broadcast %squeeze3A_32 : f32 to vector<16xf32>
      %mul3A_717 = arith.mulf %gather3A_715, %mul3A_716 : vector<16xf32>
      %add3A_718 = arith.addf %add3A_712, %mul3A_717 : vector<16xf32>
      %broadcast_in_dim3A_719 = arith.constant 13 : i32
      %broadcast_in_dim3A_720 = vector.broadcast %broadcast_in_dim3A_719 : i32 to vector<16xi32>
      %gather3A_721 = tpu.vector_load_idx %arg9[%broadcast_in_dim3A_720, %add3A_640] : memref<16x2048xf32, #tpu.memory_space<vmem>>[vector<16xi32>, vector<16xi32>], vector<16xf32>,
      %mul3A_722 = vector.broadcast %squeeze3A_34 : f32 to vector<16xf32>
      %mul3A_723 = arith.mulf %gather3A_721, %mul3A_722 : vector<16xf32>
      %add3A_724 = arith.addf %add3A_718, %mul3A_723 : vector<16xf32>
      %broadcast_in_dim3A_725 = arith.constant 14 : i32
      %broadcast_in_dim3A_726 = vector.broadcast %broadcast_in_dim3A_725 : i32 to vector<16xi32>
      %gather3A_727 = tpu.vector_load_idx %arg9[%broadcast_in_dim3A_726, %add3A_640] : memref<16x2048xf32, #tpu.memory_space<vmem>>[vector<16xi32>, vector<16xi32>], vector<16xf32>,
      %mul3A_728 = vector.broadcast %squeeze3A_36 : f32 to vector<16xf32>
      %mul3A_729 = arith.mulf %gather3A_727, %mul3A_728 : vector<16xf32>
      %add3A_730 = arith.addf %add3A_724, %mul3A_729 : vector<16xf32>
      %broadcast_in_dim3A_731 = arith.constant 15 : i32
      %broadcast_in_dim3A_732 = vector.broadcast %broadcast_in_dim3A_731 : i32 to vector<16xi32>
      %gather3A_733 = tpu.vector_load_idx %arg9[%broadcast_in_dim3A_732, %add3A_640] : memref<16x2048xf32, #tpu.memory_space<vmem>>[vector<16xi32>, vector<16xi32>], vector<16xf32>,
      %mul3A_734 = vector.broadcast %squeeze3A_38 : f32 to vector<16xf32>
      %mul3A_735 = arith.mulf %gather3A_733, %mul3A_734 : vector<16xf32>
      %add3A_736 = arith.addf %add3A_730, %mul3A_735 : vector<16xf32>
      %lt3A = arith.constant 31 : i32
      %lt3A_737 = arith.cmpi slt, %scan3A_349, %lt3A : i32
      %convert_element_type3A = arith.extui %lt3A_737 : i1 to i32
      %cond3A = arith.constant 0 : i32
      %cond3A_738 = arith.cmpi ne, %convert_element_type3A, %cond3A : i32
      scf.if %cond3A_738 {
        %add3A_860 = arith.constant 1 : i32
        %add3A_861 = arith.addi %scan3A_349, %add3A_860 : i32
        %mul3A_862 = arith.constant 16 : i32
        %mul3A_863 = arith.muli %add3A_861, %mul3A_862 : i32
        %get3A_864 = arith.index_cast %mul3A_863 : i32 to index
        %get3A_865 = tpu.vector_load %arg7[%get3A_864] {strides = array<i32>} : memref<512xi32, #tpu.memory_space<vmem>>, vector<16xi32>,
        %slice3A_866 = vector.extract_strided_slice %get3A_865 {offsets = [0], sizes = [1], strides = [1]} : vector<16xi32> to vector<1xi32>
        %squeeze3A_867 = vector.extract %slice3A_866[0] : i32 from vector<1xi32>
        %shift_right_arithmetic3A_868 = arith.constant 7 : i32
        %shift_right_arithmetic3A_869 = arith.shrsi %squeeze3A_867, %shift_right_arithmetic3A_868 : i32
        %mul3A_870 = arith.constant 128 : i32
        %mul3A_871 = arith.muli %shift_right_arithmetic3A_869, %mul3A_870 : i32
        %multiple_of3A_872 = tpu.assume_multiple %mul3A_871, 128 : i32
        %dma_start3A_873 = arith.constant 0 : i32
        %dma_start3A_874 = arith.constant 0 : i32
        %dma_start3A_875 = tpu.memref_slice %arg9[%dma_start3A_873, %dma_start3A_874] : memref<16x2048xf32, #tpu.memory_space<vmem>> -> memref<16x128xf32, #tpu.memory_space<vmem>>
        %dma_start3A_876 = arith.constant 0 : i32
        %dma_start3A_877 = tpu.memref_slice %arg3[%dma_start3A_876, %multiple_of3A_872] : memref<16x1000000xf32, #tpu.memory_space<hbm>> -> memref<16x128xf32, #tpu.memory_space<hbm>>
        %dma_start3A_878 = arith.constant 0 : i32
        %dma_start3A_879 = arith.constant 0 : i32
        %dma_start3A_880 = tpu.memref_slice %arg9[%dma_start3A_878, %dma_start3A_879] : memref<16x2048xf32, #tpu.memory_space<vmem>> -> memref<16x128xf32, #tpu.memory_space<vmem>>
        %dma_start3A_881 = arith.constant 0 : i32
        %dma_start3A_882 = tpu.memref_slice %arg3[%dma_start3A_881, %multiple_of3A_872] : memref<16x1000000xf32, #tpu.memory_space<hbm>> -> memref<16x128xf32, #tpu.memory_space<hbm>>
        tpu.enqueue_dma source(%dma_start3A_882 : memref<16x128xf32, #tpu.memory_space<hbm>>) target(%dma_start3A_880 : memref<16x128xf32, #tpu.memory_space<vmem>>) target_semaphore(%arg13 : memref<!tpu.dma_semaphore, #tpu.memory_space<semaphore_mem>>)
        %slice3A_883 = vector.extract_strided_slice %get3A_865 {offsets = [1], sizes = [1], strides = [1]} : vector<16xi32> to vector<1xi32>
        %squeeze3A_884 = vector.extract %slice3A_883[0] : i32 from vector<1xi32>
        %shift_right_arithmetic3A_885 = arith.constant 7 : i32
        %shift_right_arithmetic3A_886 = arith.shrsi %squeeze3A_884, %shift_right_arithmetic3A_885 : i32
        %mul3A_887 = arith.constant 128 : i32
        %mul3A_888 = arith.muli %shift_right_arithmetic3A_886, %mul3A_887 : i32
        %multiple_of3A_889 = tpu.assume_multiple %mul3A_888, 128 : i32
        %dma_start3A_890 = arith.constant 0 : i32
        %dma_start3A_891 = arith.constant 128 : i32
        %dma_start3A_892 = tpu.memref_slice %arg9[%dma_start3A_890, %dma_start3A_891] : memref<16x2048xf32, #tpu.memory_space<vmem>> -> memref<16x128xf32, #tpu.memory_space<vmem>>
        %dma_start3A_893 = arith.constant 0 : i32
        %dma_start3A_894 = tpu.memref_slice %arg3[%dma_start3A_893, %multiple_of3A_889] : memref<16x1000000xf32, #tpu.memory_space<hbm>> -> memref<16x128xf32, #tpu.memory_space<hbm>>
        %dma_start3A_895 = arith.constant 0 : i32
        %dma_start3A_896 = arith.constant 128 : i32
        %dma_start3A_897 = tpu.memref_slice %arg9[%dma_start3A_895, %dma_start3A_896] : memref<16x2048xf32, #tpu.memory_space<vmem>> -> memref<16x128xf32, #tpu.memory_space<vmem>>
        %dma_start3A_898 = arith.constant 0 : i32
        %dma_start3A_899 = tpu.memref_slice %arg3[%dma_start3A_898, %multiple_of3A_889] : memref<16x1000000xf32, #tpu.memory_space<hbm>> -> memref<16x128xf32, #tpu.memory_space<hbm>>
        tpu.enqueue_dma source(%dma_start3A_899 : memref<16x128xf32, #tpu.memory_space<hbm>>) target(%dma_start3A_897 : memref<16x128xf32, #tpu.memory_space<vmem>>) target_semaphore(%arg13 : memref<!tpu.dma_semaphore, #tpu.memory_space<semaphore_mem>>)
        %slice3A_900 = vector.extract_strided_slice %get3A_865 {offsets = [2], sizes = [1], strides = [1]} : vector<16xi32> to vector<1xi32>
        %squeeze3A_901 = vector.extract %slice3A_900[0] : i32 from vector<1xi32>
        %shift_right_arithmetic3A_902 = arith.constant 7 : i32
        %shift_right_arithmetic3A_903 = arith.shrsi %squeeze3A_901, %shift_right_arithmetic3A_902 : i32
        %mul3A_904 = arith.constant 128 : i32
        %mul3A_905 = arith.muli %shift_right_arithmetic3A_903, %mul3A_904 : i32
        %multiple_of3A_906 = tpu.assume_multiple %mul3A_905, 128 : i32
        %dma_start3A_907 = arith.constant 0 : i32
        %dma_start3A_908 = arith.constant 256 : i32
        %dma_start3A_909 = tpu.memref_slice %arg9[%dma_start3A_907, %dma_start3A_908] : memref<16x2048xf32, #tpu.memory_space<vmem>> -> memref<16x128xf32, #tpu.memory_space<vmem>>
        %dma_start3A_910 = arith.constant 0 : i32
        %dma_start3A_911 = tpu.memref_slice %arg3[%dma_start3A_910, %multiple_of3A_906] : memref<16x1000000xf32, #tpu.memory_space<hbm>> -> memref<16x128xf32, #tpu.memory_space<hbm>>
        %dma_start3A_912 = arith.constant 0 : i32
        %dma_start3A_913 = arith.constant 256 : i32
        %dma_start3A_914 = tpu.memref_slice %arg9[%dma_start3A_912, %dma_start3A_913] : memref<16x2048xf32, #tpu.memory_space<vmem>> -> memref<16x128xf32, #tpu.memory_space<vmem>>
        %dma_start3A_915 = arith.constant 0 : i32
        %dma_start3A_916 = tpu.memref_slice %arg3[%dma_start3A_915, %multiple_of3A_906] : memref<16x1000000xf32, #tpu.memory_space<hbm>> -> memref<16x128xf32, #tpu.memory_space<hbm>>
        tpu.enqueue_dma source(%dma_start3A_916 : memref<16x128xf32, #tpu.memory_space<hbm>>) target(%dma_start3A_914 : memref<16x128xf32, #tpu.memory_space<vmem>>) target_semaphore(%arg13 : memref<!tpu.dma_semaphore, #tpu.memory_space<semaphore_mem>>)
        %slice3A_917 = vector.extract_strided_slice %get3A_865 {offsets = [3], sizes = [1], strides = [1]} : vector<16xi32> to vector<1xi32>
        %squeeze3A_918 = vector.extract %slice3A_917[0] : i32 from vector<1xi32>
        %shift_right_arithmetic3A_919 = arith.constant 7 : i32
        %shift_right_arithmetic3A_920 = arith.shrsi %squeeze3A_918, %shift_right_arithmetic3A_919 : i32
        %mul3A_921 = arith.constant 128 : i32
        %mul3A_922 = arith.muli %shift_right_arithmetic3A_920, %mul3A_921 : i32
        %multiple_of3A_923 = tpu.assume_multiple %mul3A_922, 128 : i32
        %dma_start3A_924 = arith.constant 0 : i32
        %dma_start3A_925 = arith.constant 384 : i32
        %dma_start3A_926 = tpu.memref_slice %arg9[%dma_start3A_924, %dma_start3A_925] : memref<16x2048xf32, #tpu.memory_space<vmem>> -> memref<16x128xf32, #tpu.memory_space<vmem>>
        %dma_start3A_927 = arith.constant 0 : i32
        %dma_start3A_928 = tpu.memref_slice %arg3[%dma_start3A_927, %multiple_of3A_923] : memref<16x1000000xf32, #tpu.memory_space<hbm>> -> memref<16x128xf32, #tpu.memory_space<hbm>>
        %dma_start3A_929 = arith.constant 0 : i32
        %dma_start3A_930 = arith.constant 384 : i32
        %dma_start3A_931 = tpu.memref_slice %arg9[%dma_start3A_929, %dma_start3A_930] : memref<16x2048xf32, #tpu.memory_space<vmem>> -> memref<16x128xf32, #tpu.memory_space<vmem>>
        %dma_start3A_932 = arith.constant 0 : i32
        %dma_start3A_933 = tpu.memref_slice %arg3[%dma_start3A_932, %multiple_of3A_923] : memref<16x1000000xf32, #tpu.memory_space<hbm>> -> memref<16x128xf32, #tpu.memory_space<hbm>>
        tpu.enqueue_dma source(%dma_start3A_933 : memref<16x128xf32, #tpu.memory_space<hbm>>) target(%dma_start3A_931 : memref<16x128xf32, #tpu.memory_space<vmem>>) target_semaphore(%arg13 : memref<!tpu.dma_semaphore, #tpu.memory_space<semaphore_mem>>)
        %slice3A_934 = vector.extract_strided_slice %get3A_865 {offsets = [4], sizes = [1], strides = [1]} : vector<16xi32> to vector<1xi32>
        %squeeze3A_935 = vector.extract %slice3A_934[0] : i32 from vector<1xi32>
        %shift_right_arithmetic3A_936 = arith.constant 7 : i32
        %shift_right_arithmetic3A_937 = arith.shrsi %squeeze3A_935, %shift_right_arithmetic3A_936 : i32
        %mul3A_938 = arith.constant 128 : i32
        %mul3A_939 = arith.muli %shift_right_arithmetic3A_937, %mul3A_938 : i32
        %multiple_of3A_940 = tpu.assume_multiple %mul3A_939, 128 : i32
        %dma_start3A_941 = arith.constant 0 : i32
        %dma_start3A_942 = arith.constant 512 : i32
        %dma_start3A_943 = tpu.memref_slice %arg9[%dma_start3A_941, %dma_start3A_942] : memref<16x2048xf32, #tpu.memory_space<vmem>> -> memref<16x128xf32, #tpu.memory_space<vmem>>
        %dma_start3A_944 = arith.constant 0 : i32
        %dma_start3A_945 = tpu.memref_slice %arg3[%dma_start3A_944, %multiple_of3A_940] : memref<16x1000000xf32, #tpu.memory_space<hbm>> -> memref<16x128xf32, #tpu.memory_space<hbm>>
        %dma_start3A_946 = arith.constant 0 : i32
        %dma_start3A_947 = arith.constant 512 : i32
        %dma_start3A_948 = tpu.memref_slice %arg9[%dma_start3A_946, %dma_start3A_947] : memref<16x2048xf32, #tpu.memory_space<vmem>> -> memref<16x128xf32, #tpu.memory_space<vmem>>
        %dma_start3A_949 = arith.constant 0 : i32
        %dma_start3A_950 = tpu.memref_slice %arg3[%dma_start3A_949, %multiple_of3A_940] : memref<16x1000000xf32, #tpu.memory_space<hbm>> -> memref<16x128xf32, #tpu.memory_space<hbm>>
        tpu.enqueue_dma source(%dma_start3A_950 : memref<16x128xf32, #tpu.memory_space<hbm>>) target(%dma_start3A_948 : memref<16x128xf32, #tpu.memory_space<vmem>>) target_semaphore(%arg13 : memref<!tpu.dma_semaphore, #tpu.memory_space<semaphore_mem>>)
        %slice3A_951 = vector.extract_strided_slice %get3A_865 {offsets = [5], sizes = [1], strides = [1]} : vector<16xi32> to vector<1xi32>
        %squeeze3A_952 = vector.extract %slice3A_951[0] : i32 from vector<1xi32>
        %shift_right_arithmetic3A_953 = arith.constant 7 : i32
        %shift_right_arithmetic3A_954 = arith.shrsi %squeeze3A_952, %shift_right_arithmetic3A_953 : i32
        %mul3A_955 = arith.constant 128 : i32
        %mul3A_956 = arith.muli %shift_right_arithmetic3A_954, %mul3A_955 : i32
        %multiple_of3A_957 = tpu.assume_multiple %mul3A_956, 128 : i32
        %dma_start3A_958 = arith.constant 0 : i32
        %dma_start3A_959 = arith.constant 640 : i32
        %dma_start3A_960 = tpu.memref_slice %arg9[%dma_start3A_958, %dma_start3A_959] : memref<16x2048xf32, #tpu.memory_space<vmem>> -> memref<16x128xf32, #tpu.memory_space<vmem>>
        %dma_start3A_961 = arith.constant 0 : i32
        %dma_start3A_962 = tpu.memref_slice %arg3[%dma_start3A_961, %multiple_of3A_957] : memref<16x1000000xf32, #tpu.memory_space<hbm>> -> memref<16x128xf32, #tpu.memory_space<hbm>>
        %dma_start3A_963 = arith.constant 0 : i32
        %dma_start3A_964 = arith.constant 640 : i32
        %dma_start3A_965 = tpu.memref_slice %arg9[%dma_start3A_963, %dma_start3A_964] : memref<16x2048xf32, #tpu.memory_space<vmem>> -> memref<16x128xf32, #tpu.memory_space<vmem>>
        %dma_start3A_966 = arith.constant 0 : i32
        %dma_start3A_967 = tpu.memref_slice %arg3[%dma_start3A_966, %multiple_of3A_957] : memref<16x1000000xf32, #tpu.memory_space<hbm>> -> memref<16x128xf32, #tpu.memory_space<hbm>>
        tpu.enqueue_dma source(%dma_start3A_967 : memref<16x128xf32, #tpu.memory_space<hbm>>) target(%dma_start3A_965 : memref<16x128xf32, #tpu.memory_space<vmem>>) target_semaphore(%arg13 : memref<!tpu.dma_semaphore, #tpu.memory_space<semaphore_mem>>)
        %slice3A_968 = vector.extract_strided_slice %get3A_865 {offsets = [6], sizes = [1], strides = [1]} : vector<16xi32> to vector<1xi32>
        %squeeze3A_969 = vector.extract %slice3A_968[0] : i32 from vector<1xi32>
        %shift_right_arithmetic3A_970 = arith.constant 7 : i32
        %shift_right_arithmetic3A_971 = arith.shrsi %squeeze3A_969, %shift_right_arithmetic3A_970 : i32
        %mul3A_972 = arith.constant 128 : i32
        %mul3A_973 = arith.muli %shift_right_arithmetic3A_971, %mul3A_972 : i32
        %multiple_of3A_974 = tpu.assume_multiple %mul3A_973, 128 : i32
        %dma_start3A_975 = arith.constant 0 : i32
        %dma_start3A_976 = arith.constant 768 : i32
        %dma_start3A_977 = tpu.memref_slice %arg9[%dma_start3A_975, %dma_start3A_976] : memref<16x2048xf32, #tpu.memory_space<vmem>> -> memref<16x128xf32, #tpu.memory_space<vmem>>
        %dma_start3A_978 = arith.constant 0 : i32
        %dma_start3A_979 = tpu.memref_slice %arg3[%dma_start3A_978, %multiple_of3A_974] : memref<16x1000000xf32, #tpu.memory_space<hbm>> -> memref<16x128xf32, #tpu.memory_space<hbm>>
        %dma_start3A_980 = arith.constant 0 : i32
        %dma_start3A_981 = arith.constant 768 : i32
        %dma_start3A_982 = tpu.memref_slice %arg9[%dma_start3A_980, %dma_start3A_981] : memref<16x2048xf32, #tpu.memory_space<vmem>> -> memref<16x128xf32, #tpu.memory_space<vmem>>
        %dma_start3A_983 = arith.constant 0 : i32
        %dma_start3A_984 = tpu.memref_slice %arg3[%dma_start3A_983, %multiple_of3A_974] : memref<16x1000000xf32, #tpu.memory_space<hbm>> -> memref<16x128xf32, #tpu.memory_space<hbm>>
        tpu.enqueue_dma source(%dma_start3A_984 : memref<16x128xf32, #tpu.memory_space<hbm>>) target(%dma_start3A_982 : memref<16x128xf32, #tpu.memory_space<vmem>>) target_semaphore(%arg13 : memref<!tpu.dma_semaphore, #tpu.memory_space<semaphore_mem>>)
        %slice3A_985 = vector.extract_strided_slice %get3A_865 {offsets = [7], sizes = [1], strides = [1]} : vector<16xi32> to vector<1xi32>
        %squeeze3A_986 = vector.extract %slice3A_985[0] : i32 from vector<1xi32>
        %shift_right_arithmetic3A_987 = arith.constant 7 : i32
        %shift_right_arithmetic3A_988 = arith.shrsi %squeeze3A_986, %shift_right_arithmetic3A_987 : i32
        %mul3A_989 = arith.constant 128 : i32
        %mul3A_990 = arith.muli %shift_right_arithmetic3A_988, %mul3A_989 : i32
        %multiple_of3A_991 = tpu.assume_multiple %mul3A_990, 128 : i32
        %dma_start3A_992 = arith.constant 0 : i32
        %dma_start3A_993 = arith.constant 896 : i32
        %dma_start3A_994 = tpu.memref_slice %arg9[%dma_start3A_992, %dma_start3A_993] : memref<16x2048xf32, #tpu.memory_space<vmem>> -> memref<16x128xf32, #tpu.memory_space<vmem>>
        %dma_start3A_995 = arith.constant 0 : i32
        %dma_start3A_996 = tpu.memref_slice %arg3[%dma_start3A_995, %multiple_of3A_991] : memref<16x1000000xf32, #tpu.memory_space<hbm>> -> memref<16x128xf32, #tpu.memory_space<hbm>>
        %dma_start3A_997 = arith.constant 0 : i32
        %dma_start3A_998 = arith.constant 896 : i32
        %dma_start3A_999 = tpu.memref_slice %arg9[%dma_start3A_997, %dma_start3A_998] : memref<16x2048xf32, #tpu.memory_space<vmem>> -> memref<16x128xf32, #tpu.memory_space<vmem>>
        %dma_start3A_1000 = arith.constant 0 : i32
        %dma_start3A_1001 = tpu.memref_slice %arg3[%dma_start3A_1000, %multiple_of3A_991] : memref<16x1000000xf32, #tpu.memory_space<hbm>> -> memref<16x128xf32, #tpu.memory_space<hbm>>
        tpu.enqueue_dma source(%dma_start3A_1001 : memref<16x128xf32, #tpu.memory_space<hbm>>) target(%dma_start3A_999 : memref<16x128xf32, #tpu.memory_space<vmem>>) target_semaphore(%arg13 : memref<!tpu.dma_semaphore, #tpu.memory_space<semaphore_mem>>)
        %slice3A_1002 = vector.extract_strided_slice %get3A_865 {offsets = [8], sizes = [1], strides = [1]} : vector<16xi32> to vector<1xi32>
        %squeeze3A_1003 = vector.extract %slice3A_1002[0] : i32 from vector<1xi32>
        %shift_right_arithmetic3A_1004 = arith.constant 7 : i32
        %shift_right_arithmetic3A_1005 = arith.shrsi %squeeze3A_1003, %shift_right_arithmetic3A_1004 : i32
        %mul3A_1006 = arith.constant 128 : i32
        %mul3A_1007 = arith.muli %shift_right_arithmetic3A_1005, %mul3A_1006 : i32
        %multiple_of3A_1008 = tpu.assume_multiple %mul3A_1007, 128 : i32
        %dma_start3A_1009 = arith.constant 0 : i32
        %dma_start3A_1010 = arith.constant 1024 : i32
        %dma_start3A_1011 = tpu.memref_slice %arg9[%dma_start3A_1009, %dma_start3A_1010] : memref<16x2048xf32, #tpu.memory_space<vmem>> -> memref<16x128xf32, #tpu.memory_space<vmem>>
        %dma_start3A_1012 = arith.constant 0 : i32
        %dma_start3A_1013 = tpu.memref_slice %arg3[%dma_start3A_1012, %multiple_of3A_1008] : memref<16x1000000xf32, #tpu.memory_space<hbm>> -> memref<16x128xf32, #tpu.memory_space<hbm>>
        %dma_start3A_1014 = arith.constant 0 : i32
        %dma_start3A_1015 = arith.constant 1024 : i32
        %dma_start3A_1016 = tpu.memref_slice %arg9[%dma_start3A_1014, %dma_start3A_1015] : memref<16x2048xf32, #tpu.memory_space<vmem>> -> memref<16x128xf32, #tpu.memory_space<vmem>>
        %dma_start3A_1017 = arith.constant 0 : i32
        %dma_start3A_1018 = tpu.memref_slice %arg3[%dma_start3A_1017, %multiple_of3A_1008] : memref<16x1000000xf32, #tpu.memory_space<hbm>> -> memref<16x128xf32, #tpu.memory_space<hbm>>
        tpu.enqueue_dma source(%dma_start3A_1018 : memref<16x128xf32, #tpu.memory_space<hbm>>) target(%dma_start3A_1016 : memref<16x128xf32, #tpu.memory_space<vmem>>) target_semaphore(%arg13 : memref<!tpu.dma_semaphore, #tpu.memory_space<semaphore_mem>>)
        %slice3A_1019 = vector.extract_strided_slice %get3A_865 {offsets = [9], sizes = [1], strides = [1]} : vector<16xi32> to vector<1xi32>
        %squeeze3A_1020 = vector.extract %slice3A_1019[0] : i32 from vector<1xi32>
        %shift_right_arithmetic3A_1021 = arith.constant 7 : i32
        %shift_right_arithmetic3A_1022 = arith.shrsi %squeeze3A_1020, %shift_right_arithmetic3A_1021 : i32
        %mul3A_1023 = arith.constant 128 : i32
        %mul3A_1024 = arith.muli %shift_right_arithmetic3A_1022, %mul3A_1023 : i32
        %multiple_of3A_1025 = tpu.assume_multiple %mul3A_1024, 128 : i32
        %dma_start3A_1026 = arith.constant 0 : i32
        %dma_start3A_1027 = arith.constant 1152 : i32
        %dma_start3A_1028 = tpu.memref_slice %arg9[%dma_start3A_1026, %dma_start3A_1027] : memref<16x2048xf32, #tpu.memory_space<vmem>> -> memref<16x128xf32, #tpu.memory_space<vmem>>
        %dma_start3A_1029 = arith.constant 0 : i32
        %dma_start3A_1030 = tpu.memref_slice %arg3[%dma_start3A_1029, %multiple_of3A_1025] : memref<16x1000000xf32, #tpu.memory_space<hbm>> -> memref<16x128xf32, #tpu.memory_space<hbm>>
        %dma_start3A_1031 = arith.constant 0 : i32
        %dma_start3A_1032 = arith.constant 1152 : i32
        %dma_start3A_1033 = tpu.memref_slice %arg9[%dma_start3A_1031, %dma_start3A_1032] : memref<16x2048xf32, #tpu.memory_space<vmem>> -> memref<16x128xf32, #tpu.memory_space<vmem>>
        %dma_start3A_1034 = arith.constant 0 : i32
        %dma_start3A_1035 = tpu.memref_slice %arg3[%dma_start3A_1034, %multiple_of3A_1025] : memref<16x1000000xf32, #tpu.memory_space<hbm>> -> memref<16x128xf32, #tpu.memory_space<hbm>>
        tpu.enqueue_dma source(%dma_start3A_1035 : memref<16x128xf32, #tpu.memory_space<hbm>>) target(%dma_start3A_1033 : memref<16x128xf32, #tpu.memory_space<vmem>>) target_semaphore(%arg13 : memref<!tpu.dma_semaphore, #tpu.memory_space<semaphore_mem>>)
        %slice3A_1036 = vector.extract_strided_slice %get3A_865 {offsets = [10], sizes = [1], strides = [1]} : vector<16xi32> to vector<1xi32>
        %squeeze3A_1037 = vector.extract %slice3A_1036[0] : i32 from vector<1xi32>
        %shift_right_arithmetic3A_1038 = arith.constant 7 : i32
        %shift_right_arithmetic3A_1039 = arith.shrsi %squeeze3A_1037, %shift_right_arithmetic3A_1038 : i32
        %mul3A_1040 = arith.constant 128 : i32
        %mul3A_1041 = arith.muli %shift_right_arithmetic3A_1039, %mul3A_1040 : i32
        %multiple_of3A_1042 = tpu.assume_multiple %mul3A_1041, 128 : i32
        %dma_start3A_1043 = arith.constant 0 : i32
        %dma_start3A_1044 = arith.constant 1280 : i32
        %dma_start3A_1045 = tpu.memref_slice %arg9[%dma_start3A_1043, %dma_start3A_1044] : memref<16x2048xf32, #tpu.memory_space<vmem>> -> memref<16x128xf32, #tpu.memory_space<vmem>>
        %dma_start3A_1046 = arith.constant 0 : i32
        %dma_start3A_1047 = tpu.memref_slice %arg3[%dma_start3A_1046, %multiple_of3A_1042] : memref<16x1000000xf32, #tpu.memory_space<hbm>> -> memref<16x128xf32, #tpu.memory_space<hbm>>
        %dma_start3A_1048 = arith.constant 0 : i32
        %dma_start3A_1049 = arith.constant 1280 : i32
        %dma_start3A_1050 = tpu.memref_slice %arg9[%dma_start3A_1048, %dma_start3A_1049] : memref<16x2048xf32, #tpu.memory_space<vmem>> -> memref<16x128xf32, #tpu.memory_space<vmem>>
        %dma_start3A_1051 = arith.constant 0 : i32
        %dma_start3A_1052 = tpu.memref_slice %arg3[%dma_start3A_1051, %multiple_of3A_1042] : memref<16x1000000xf32, #tpu.memory_space<hbm>> -> memref<16x128xf32, #tpu.memory_space<hbm>>
        tpu.enqueue_dma source(%dma_start3A_1052 : memref<16x128xf32, #tpu.memory_space<hbm>>) target(%dma_start3A_1050 : memref<16x128xf32, #tpu.memory_space<vmem>>) target_semaphore(%arg13 : memref<!tpu.dma_semaphore, #tpu.memory_space<semaphore_mem>>)
        %slice3A_1053 = vector.extract_strided_slice %get3A_865 {offsets = [11], sizes = [1], strides = [1]} : vector<16xi32> to vector<1xi32>
        %squeeze3A_1054 = vector.extract %slice3A_1053[0] : i32 from vector<1xi32>
        %shift_right_arithmetic3A_1055 = arith.constant 7 : i32
        %shift_right_arithmetic3A_1056 = arith.shrsi %squeeze3A_1054, %shift_right_arithmetic3A_1055 : i32
        %mul3A_1057 = arith.constant 128 : i32
        %mul3A_1058 = arith.muli %shift_right_arithmetic3A_1056, %mul3A_1057 : i32
        %multiple_of3A_1059 = tpu.assume_multiple %mul3A_1058, 128 : i32
        %dma_start3A_1060 = arith.constant 0 : i32
        %dma_start3A_1061 = arith.constant 1408 : i32
        %dma_start3A_1062 = tpu.memref_slice %arg9[%dma_start3A_1060, %dma_start3A_1061] : memref<16x2048xf32, #tpu.memory_space<vmem>> -> memref<16x128xf32, #tpu.memory_space<vmem>>
        %dma_start3A_1063 = arith.constant 0 : i32
        %dma_start3A_1064 = tpu.memref_slice %arg3[%dma_start3A_1063, %multiple_of3A_1059] : memref<16x1000000xf32, #tpu.memory_space<hbm>> -> memref<16x128xf32, #tpu.memory_space<hbm>>
        %dma_start3A_1065 = arith.constant 0 : i32
        %dma_start3A_1066 = arith.constant 1408 : i32
        %dma_start3A_1067 = tpu.memref_slice %arg9[%dma_start3A_1065, %dma_start3A_1066] : memref<16x2048xf32, #tpu.memory_space<vmem>> -> memref<16x128xf32, #tpu.memory_space<vmem>>
        %dma_start3A_1068 = arith.constant 0 : i32
        %dma_start3A_1069 = tpu.memref_slice %arg3[%dma_start3A_1068, %multiple_of3A_1059] : memref<16x1000000xf32, #tpu.memory_space<hbm>> -> memref<16x128xf32, #tpu.memory_space<hbm>>
        tpu.enqueue_dma source(%dma_start3A_1069 : memref<16x128xf32, #tpu.memory_space<hbm>>) target(%dma_start3A_1067 : memref<16x128xf32, #tpu.memory_space<vmem>>) target_semaphore(%arg13 : memref<!tpu.dma_semaphore, #tpu.memory_space<semaphore_mem>>)
        %slice3A_1070 = vector.extract_strided_slice %get3A_865 {offsets = [12], sizes = [1], strides = [1]} : vector<16xi32> to vector<1xi32>
        %squeeze3A_1071 = vector.extract %slice3A_1070[0] : i32 from vector<1xi32>
        %shift_right_arithmetic3A_1072 = arith.constant 7 : i32
        %shift_right_arithmetic3A_1073 = arith.shrsi %squeeze3A_1071, %shift_right_arithmetic3A_1072 : i32
        %mul3A_1074 = arith.constant 128 : i32
        %mul3A_1075 = arith.muli %shift_right_arithmetic3A_1073, %mul3A_1074 : i32
        %multiple_of3A_1076 = tpu.assume_multiple %mul3A_1075, 128 : i32
        %dma_start3A_1077 = arith.constant 0 : i32
        %dma_start3A_1078 = arith.constant 1536 : i32
        %dma_start3A_1079 = tpu.memref_slice %arg9[%dma_start3A_1077, %dma_start3A_1078] : memref<16x2048xf32, #tpu.memory_space<vmem>> -> memref<16x128xf32, #tpu.memory_space<vmem>>
        %dma_start3A_1080 = arith.constant 0 : i32
        %dma_start3A_1081 = tpu.memref_slice %arg3[%dma_start3A_1080, %multiple_of3A_1076] : memref<16x1000000xf32, #tpu.memory_space<hbm>> -> memref<16x128xf32, #tpu.memory_space<hbm>>
        %dma_start3A_1082 = arith.constant 0 : i32
        %dma_start3A_1083 = arith.constant 1536 : i32
        %dma_start3A_1084 = tpu.memref_slice %arg9[%dma_start3A_1082, %dma_start3A_1083] : memref<16x2048xf32, #tpu.memory_space<vmem>> -> memref<16x128xf32, #tpu.memory_space<vmem>>
        %dma_start3A_1085 = arith.constant 0 : i32
        %dma_start3A_1086 = tpu.memref_slice %arg3[%dma_start3A_1085, %multiple_of3A_1076] : memref<16x1000000xf32, #tpu.memory_space<hbm>> -> memref<16x128xf32, #tpu.memory_space<hbm>>
        tpu.enqueue_dma source(%dma_start3A_1086 : memref<16x128xf32, #tpu.memory_space<hbm>>) target(%dma_start3A_1084 : memref<16x128xf32, #tpu.memory_space<vmem>>) target_semaphore(%arg13 : memref<!tpu.dma_semaphore, #tpu.memory_space<semaphore_mem>>)
        %slice3A_1087 = vector.extract_strided_slice %get3A_865 {offsets = [13], sizes = [1], strides = [1]} : vector<16xi32> to vector<1xi32>
        %squeeze3A_1088 = vector.extract %slice3A_1087[0] : i32 from vector<1xi32>
        %shift_right_arithmetic3A_1089 = arith.constant 7 : i32
        %shift_right_arithmetic3A_1090 = arith.shrsi %squeeze3A_1088, %shift_right_arithmetic3A_1089 : i32
        %mul3A_1091 = arith.constant 128 : i32
        %mul3A_1092 = arith.muli %shift_right_arithmetic3A_1090, %mul3A_1091 : i32
        %multiple_of3A_1093 = tpu.assume_multiple %mul3A_1092, 128 : i32
        %dma_start3A_1094 = arith.constant 0 : i32
        %dma_start3A_1095 = arith.constant 1664 : i32
        %dma_start3A_1096 = tpu.memref_slice %arg9[%dma_start3A_1094, %dma_start3A_1095] : memref<16x2048xf32, #tpu.memory_space<vmem>> -> memref<16x128xf32, #tpu.memory_space<vmem>>
        %dma_start3A_1097 = arith.constant 0 : i32
        %dma_start3A_1098 = tpu.memref_slice %arg3[%dma_start3A_1097, %multiple_of3A_1093] : memref<16x1000000xf32, #tpu.memory_space<hbm>> -> memref<16x128xf32, #tpu.memory_space<hbm>>
        %dma_start3A_1099 = arith.constant 0 : i32
        %dma_start3A_1100 = arith.constant 1664 : i32
        %dma_start3A_1101 = tpu.memref_slice %arg9[%dma_start3A_1099, %dma_start3A_1100] : memref<16x2048xf32, #tpu.memory_space<vmem>> -> memref<16x128xf32, #tpu.memory_space<vmem>>
        %dma_start3A_1102 = arith.constant 0 : i32
        %dma_start3A_1103 = tpu.memref_slice %arg3[%dma_start3A_1102, %multiple_of3A_1093] : memref<16x1000000xf32, #tpu.memory_space<hbm>> -> memref<16x128xf32, #tpu.memory_space<hbm>>
        tpu.enqueue_dma source(%dma_start3A_1103 : memref<16x128xf32, #tpu.memory_space<hbm>>) target(%dma_start3A_1101 : memref<16x128xf32, #tpu.memory_space<vmem>>) target_semaphore(%arg13 : memref<!tpu.dma_semaphore, #tpu.memory_space<semaphore_mem>>)
        %slice3A_1104 = vector.extract_strided_slice %get3A_865 {offsets = [14], sizes = [1], strides = [1]} : vector<16xi32> to vector<1xi32>
        %squeeze3A_1105 = vector.extract %slice3A_1104[0] : i32 from vector<1xi32>
        %shift_right_arithmetic3A_1106 = arith.constant 7 : i32
        %shift_right_arithmetic3A_1107 = arith.shrsi %squeeze3A_1105, %shift_right_arithmetic3A_1106 : i32
        %mul3A_1108 = arith.constant 128 : i32
        %mul3A_1109 = arith.muli %shift_right_arithmetic3A_1107, %mul3A_1108 : i32
        %multiple_of3A_1110 = tpu.assume_multiple %mul3A_1109, 128 : i32
        %dma_start3A_1111 = arith.constant 0 : i32
        %dma_start3A_1112 = arith.constant 1792 : i32
        %dma_start3A_1113 = tpu.memref_slice %arg9[%dma_start3A_1111, %dma_start3A_1112] : memref<16x2048xf32, #tpu.memory_space<vmem>> -> memref<16x128xf32, #tpu.memory_space<vmem>>
        %dma_start3A_1114 = arith.constant 0 : i32
        %dma_start3A_1115 = tpu.memref_slice %arg3[%dma_start3A_1114, %multiple_of3A_1110] : memref<16x1000000xf32, #tpu.memory_space<hbm>> -> memref<16x128xf32, #tpu.memory_space<hbm>>
        %dma_start3A_1116 = arith.constant 0 : i32
        %dma_start3A_1117 = arith.constant 1792 : i32
        %dma_start3A_1118 = tpu.memref_slice %arg9[%dma_start3A_1116, %dma_start3A_1117] : memref<16x2048xf32, #tpu.memory_space<vmem>> -> memref<16x128xf32, #tpu.memory_space<vmem>>
        %dma_start3A_1119 = arith.constant 0 : i32
        %dma_start3A_1120 = tpu.memref_slice %arg3[%dma_start3A_1119, %multiple_of3A_1110] : memref<16x1000000xf32, #tpu.memory_space<hbm>> -> memref<16x128xf32, #tpu.memory_space<hbm>>
        tpu.enqueue_dma source(%dma_start3A_1120 : memref<16x128xf32, #tpu.memory_space<hbm>>) target(%dma_start3A_1118 : memref<16x128xf32, #tpu.memory_space<vmem>>) target_semaphore(%arg13 : memref<!tpu.dma_semaphore, #tpu.memory_space<semaphore_mem>>)
        %slice3A_1121 = vector.extract_strided_slice %get3A_865 {offsets = [15], sizes = [1], strides = [1]} : vector<16xi32> to vector<1xi32>
        %squeeze3A_1122 = vector.extract %slice3A_1121[0] : i32 from vector<1xi32>
        %shift_right_arithmetic3A_1123 = arith.constant 7 : i32
        %shift_right_arithmetic3A_1124 = arith.shrsi %squeeze3A_1122, %shift_right_arithmetic3A_1123 : i32
        %mul3A_1125 = arith.constant 128 : i32
        %mul3A_1126 = arith.muli %shift_right_arithmetic3A_1124, %mul3A_1125 : i32
        %multiple_of3A_1127 = tpu.assume_multiple %mul3A_1126, 128 : i32
        %dma_start3A_1128 = arith.constant 0 : i32
        %dma_start3A_1129 = arith.constant 1920 : i32
        %dma_start3A_1130 = tpu.memref_slice %arg9[%dma_start3A_1128, %dma_start3A_1129] : memref<16x2048xf32, #tpu.memory_space<vmem>> -> memref<16x128xf32, #tpu.memory_space<vmem>>
        %dma_start3A_1131 = arith.constant 0 : i32
        %dma_start3A_1132 = tpu.memref_slice %arg3[%dma_start3A_1131, %multiple_of3A_1127] : memref<16x1000000xf32, #tpu.memory_space<hbm>> -> memref<16x128xf32, #tpu.memory_space<hbm>>
        %dma_start3A_1133 = arith.constant 0 : i32
        %dma_start3A_1134 = arith.constant 1920 : i32
        %dma_start3A_1135 = tpu.memref_slice %arg9[%dma_start3A_1133, %dma_start3A_1134] : memref<16x2048xf32, #tpu.memory_space<vmem>> -> memref<16x128xf32, #tpu.memory_space<vmem>>
        %dma_start3A_1136 = arith.constant 0 : i32
        %dma_start3A_1137 = tpu.memref_slice %arg3[%dma_start3A_1136, %multiple_of3A_1127] : memref<16x1000000xf32, #tpu.memory_space<hbm>> -> memref<16x128xf32, #tpu.memory_space<hbm>>
        tpu.enqueue_dma source(%dma_start3A_1137 : memref<16x128xf32, #tpu.memory_space<hbm>>) target(%dma_start3A_1135 : memref<16x128xf32, #tpu.memory_space<vmem>>) target_semaphore(%arg13 : memref<!tpu.dma_semaphore, #tpu.memory_space<semaphore_mem>>)
      } else {
      }
      %dma_wait3A_739 = arith.constant 0 : i32
      %dma_wait3A_740 = arith.constant 0 : i32
      %dma_wait3A_741 = tpu.memref_slice %arg4[%dma_wait3A_739, %dma_wait3A_740] : memref<16x1000000xf32, #tpu.memory_space<hbm>> -> memref<16x2048xf32, #tpu.memory_space<hbm>>
      %dma_wait3A_742 = arith.constant 0 : i32
      %dma_wait3A_743 = arith.constant 0 : i32
      %dma_wait3A_744 = tpu.memref_slice %arg4[%dma_wait3A_742, %dma_wait3A_743] : memref<16x1000000xf32, #tpu.memory_space<hbm>> -> memref<16x2048xf32, #tpu.memory_space<hbm>>
      tpu.wait_dma2 semaphore(%arg14 : memref<!tpu.dma_semaphore, #tpu.memory_space<semaphore_mem>>) src(%dma_wait3A_744 : memref<16x2048xf32, #tpu.memory_space<hbm>>) dst(%arg10 : memref<16x2048xf32, #tpu.memory_space<vmem>>)
      %get3A_745 = arith.index_cast %mul3A_351 : i32 to index
      %get3A_746 = tpu.vector_load %arg8[%get3A_745] {strides = array<i32>} : memref<512xi32, #tpu.memory_space<vmem>>, vector<16xi32>,
      %and3A_747 = arith.constant 127 : i32
      %and3A_748 = vector.broadcast %and3A_747 : i32 to vector<16xi32>
      %and3A_749 = arith.andi %get3A_746, %and3A_748 : vector<16xi32>
      %mul3A_750 = arith.constant 128 : i32
      %mul3A_751 = vector.broadcast %mul3A_750 : i32 to vector<16xi32>
      %mul3A_752 = arith.muli %iota3A, %mul3A_751 : vector<16xi32>
      %add3A_753 = arith.addi %and3A_749, %mul3A_752 : vector<16xi32>
      %broadcast_in_dim3A_754 = arith.constant 0 : i32
      %broadcast_in_dim3A_755 = vector.broadcast %broadcast_in_dim3A_754 : i32 to vector<16xi32>
      %gather3A_756 = tpu.vector_load_idx %arg10[%broadcast_in_dim3A_755, %add3A_753] : memref<16x2048xf32, #tpu.memory_space<vmem>>[vector<16xi32>, vector<16xi32>], vector<16xf32>,
      %mul3A_757 = vector.broadcast %squeeze3A_40 : f32 to vector<16xf32>
      %mul3A_758 = arith.mulf %gather3A_756, %mul3A_757 : vector<16xf32>
      %add3A_759 = arith.addf %add3A_736, %mul3A_758 : vector<16xf32>
      %broadcast_in_dim3A_760 = arith.constant 1 : i32
      %broadcast_in_dim3A_761 = vector.broadcast %broadcast_in_dim3A_760 : i32 to vector<16xi32>
      %gather3A_762 = tpu.vector_load_idx %arg10[%broadcast_in_dim3A_761, %add3A_753] : memref<16x2048xf32, #tpu.memory_space<vmem>>[vector<16xi32>, vector<16xi32>], vector<16xf32>,
      %mul3A_763 = vector.broadcast %squeeze3A_42 : f32 to vector<16xf32>
      %mul3A_764 = arith.mulf %gather3A_762, %mul3A_763 : vector<16xf32>
      %add3A_765 = arith.addf %add3A_759, %mul3A_764 : vector<16xf32>
      %broadcast_in_dim3A_766 = arith.constant 2 : i32
      %broadcast_in_dim3A_767 = vector.broadcast %broadcast_in_dim3A_766 : i32 to vector<16xi32>
      %gather3A_768 = tpu.vector_load_idx %arg10[%broadcast_in_dim3A_767, %add3A_753] : memref<16x2048xf32, #tpu.memory_space<vmem>>[vector<16xi32>, vector<16xi32>], vector<16xf32>,
      %mul3A_769 = vector.broadcast %squeeze3A_44 : f32 to vector<16xf32>
      %mul3A_770 = arith.mulf %gather3A_768, %mul3A_769 : vector<16xf32>
      %add3A_771 = arith.addf %add3A_765, %mul3A_770 : vector<16xf32>
      %broadcast_in_dim3A_772 = arith.constant 3 : i32
      %broadcast_in_dim3A_773 = vector.broadcast %broadcast_in_dim3A_772 : i32 to vector<16xi32>
      %gather3A_774 = tpu.vector_load_idx %arg10[%broadcast_in_dim3A_773, %add3A_753] : memref<16x2048xf32, #tpu.memory_space<vmem>>[vector<16xi32>, vector<16xi32>], vector<16xf32>,
      %mul3A_775 = vector.broadcast %squeeze3A_46 : f32 to vector<16xf32>
      %mul3A_776 = arith.mulf %gather3A_774, %mul3A_775 : vector<16xf32>
      %add3A_777 = arith.addf %add3A_771, %mul3A_776 : vector<16xf32>
      %broadcast_in_dim3A_778 = arith.constant 4 : i32
      %broadcast_in_dim3A_779 = vector.broadcast %broadcast_in_dim3A_778 : i32 to vector<16xi32>
      %gather3A_780 = tpu.vector_load_idx %arg10[%broadcast_in_dim3A_779, %add3A_753] : memref<16x2048xf32, #tpu.memory_space<vmem>>[vector<16xi32>, vector<16xi32>], vector<16xf32>,
      %mul3A_781 = vector.broadcast %squeeze3A_48 : f32 to vector<16xf32>
      %mul3A_782 = arith.mulf %gather3A_780, %mul3A_781 : vector<16xf32>
      %add3A_783 = arith.addf %add3A_777, %mul3A_782 : vector<16xf32>
      %broadcast_in_dim3A_784 = arith.constant 5 : i32
      %broadcast_in_dim3A_785 = vector.broadcast %broadcast_in_dim3A_784 : i32 to vector<16xi32>
      %gather3A_786 = tpu.vector_load_idx %arg10[%broadcast_in_dim3A_785, %add3A_753] : memref<16x2048xf32, #tpu.memory_space<vmem>>[vector<16xi32>, vector<16xi32>], vector<16xf32>,
      %mul3A_787 = vector.broadcast %squeeze3A_50 : f32 to vector<16xf32>
      %mul3A_788 = arith.mulf %gather3A_786, %mul3A_787 : vector<16xf32>
      %add3A_789 = arith.addf %add3A_783, %mul3A_788 : vector<16xf32>
      %broadcast_in_dim3A_790 = arith.constant 6 : i32
      %broadcast_in_dim3A_791 = vector.broadcast %broadcast_in_dim3A_790 : i32 to vector<16xi32>
      %gather3A_792 = tpu.vector_load_idx %arg10[%broadcast_in_dim3A_791, %add3A_753] : memref<16x2048xf32, #tpu.memory_space<vmem>>[vector<16xi32>, vector<16xi32>], vector<16xf32>,
      %mul3A_793 = vector.broadcast %squeeze3A_52 : f32 to vector<16xf32>
      %mul3A_794 = arith.mulf %gather3A_792, %mul3A_793 : vector<16xf32>
      %add3A_795 = arith.addf %add3A_789, %mul3A_794 : vector<16xf32>
      %broadcast_in_dim3A_796 = arith.constant 7 : i32
      %broadcast_in_dim3A_797 = vector.broadcast %broadcast_in_dim3A_796 : i32 to vector<16xi32>
      %gather3A_798 = tpu.vector_load_idx %arg10[%broadcast_in_dim3A_797, %add3A_753] : memref<16x2048xf32, #tpu.memory_space<vmem>>[vector<16xi32>, vector<16xi32>], vector<16xf32>,
      %mul3A_799 = vector.broadcast %squeeze3A_54 : f32 to vector<16xf32>
      %mul3A_800 = arith.mulf %gather3A_798, %mul3A_799 : vector<16xf32>
      %add3A_801 = arith.addf %add3A_795, %mul3A_800 : vector<16xf32>
      %broadcast_in_dim3A_802 = arith.constant 8 : i32
      %broadcast_in_dim3A_803 = vector.broadcast %broadcast_in_dim3A_802 : i32 to vector<16xi32>
      %gather3A_804 = tpu.vector_load_idx %arg10[%broadcast_in_dim3A_803, %add3A_753] : memref<16x2048xf32, #tpu.memory_space<vmem>>[vector<16xi32>, vector<16xi32>], vector<16xf32>,
      %mul3A_805 = vector.broadcast %squeeze3A_56 : f32 to vector<16xf32>
      %mul3A_806 = arith.mulf %gather3A_804, %mul3A_805 : vector<16xf32>
      %add3A_807 = arith.addf %add3A_801, %mul3A_806 : vector<16xf32>
      %broadcast_in_dim3A_808 = arith.constant 9 : i32
      %broadcast_in_dim3A_809 = vector.broadcast %broadcast_in_dim3A_808 : i32 to vector<16xi32>
      %gather3A_810 = tpu.vector_load_idx %arg10[%broadcast_in_dim3A_809, %add3A_753] : memref<16x2048xf32, #tpu.memory_space<vmem>>[vector<16xi32>, vector<16xi32>], vector<16xf32>,
      %mul3A_811 = vector.broadcast %squeeze3A_58 : f32 to vector<16xf32>
      %mul3A_812 = arith.mulf %gather3A_810, %mul3A_811 : vector<16xf32>
      %add3A_813 = arith.addf %add3A_807, %mul3A_812 : vector<16xf32>
      %broadcast_in_dim3A_814 = arith.constant 10 : i32
      %broadcast_in_dim3A_815 = vector.broadcast %broadcast_in_dim3A_814 : i32 to vector<16xi32>
      %gather3A_816 = tpu.vector_load_idx %arg10[%broadcast_in_dim3A_815, %add3A_753] : memref<16x2048xf32, #tpu.memory_space<vmem>>[vector<16xi32>, vector<16xi32>], vector<16xf32>,
      %mul3A_817 = vector.broadcast %squeeze3A_60 : f32 to vector<16xf32>
      %mul3A_818 = arith.mulf %gather3A_816, %mul3A_817 : vector<16xf32>
      %add3A_819 = arith.addf %add3A_813, %mul3A_818 : vector<16xf32>
      %broadcast_in_dim3A_820 = arith.constant 11 : i32
      %broadcast_in_dim3A_821 = vector.broadcast %broadcast_in_dim3A_820 : i32 to vector<16xi32>
      %gather3A_822 = tpu.vector_load_idx %arg10[%broadcast_in_dim3A_821, %add3A_753] : memref<16x2048xf32, #tpu.memory_space<vmem>>[vector<16xi32>, vector<16xi32>], vector<16xf32>,
      %mul3A_823 = vector.broadcast %squeeze3A_62 : f32 to vector<16xf32>
      %mul3A_824 = arith.mulf %gather3A_822, %mul3A_823 : vector<16xf32>
      %add3A_825 = arith.addf %add3A_819, %mul3A_824 : vector<16xf32>
      %broadcast_in_dim3A_826 = arith.constant 12 : i32
      %broadcast_in_dim3A_827 = vector.broadcast %broadcast_in_dim3A_826 : i32 to vector<16xi32>
      %gather3A_828 = tpu.vector_load_idx %arg10[%broadcast_in_dim3A_827, %add3A_753] : memref<16x2048xf32, #tpu.memory_space<vmem>>[vector<16xi32>, vector<16xi32>], vector<16xf32>,
      %mul3A_829 = vector.broadcast %squeeze3A_64 : f32 to vector<16xf32>
      %mul3A_830 = arith.mulf %gather3A_828, %mul3A_829 : vector<16xf32>
      %add3A_831 = arith.addf %add3A_825, %mul3A_830 : vector<16xf32>
      %broadcast_in_dim3A_832 = arith.constant 13 : i32
      %broadcast_in_dim3A_833 = vector.broadcast %broadcast_in_dim3A_832 : i32 to vector<16xi32>
      %gather3A_834 = tpu.vector_load_idx %arg10[%broadcast_in_dim3A_833, %add3A_753] : memref<16x2048xf32, #tpu.memory_space<vmem>>[vector<16xi32>, vector<16xi32>], vector<16xf32>,
      %mul3A_835 = vector.broadcast %squeeze3A_66 : f32 to vector<16xf32>
      %mul3A_836 = arith.mulf %gather3A_834, %mul3A_835 : vector<16xf32>
      %add3A_837 = arith.addf %add3A_831, %mul3A_836 : vector<16xf32>
      %broadcast_in_dim3A_838 = arith.constant 14 : i32
      %broadcast_in_dim3A_839 = vector.broadcast %broadcast_in_dim3A_838 : i32 to vector<16xi32>
      %gather3A_840 = tpu.vector_load_idx %arg10[%broadcast_in_dim3A_839, %add3A_753] : memref<16x2048xf32, #tpu.memory_space<vmem>>[vector<16xi32>, vector<16xi32>], vector<16xf32>,
      %mul3A_841 = vector.broadcast %squeeze3A_68 : f32 to vector<16xf32>
      %mul3A_842 = arith.mulf %gather3A_840, %mul3A_841 : vector<16xf32>
      %add3A_843 = arith.addf %add3A_837, %mul3A_842 : vector<16xf32>
      %broadcast_in_dim3A_844 = arith.constant 15 : i32
      %broadcast_in_dim3A_845 = vector.broadcast %broadcast_in_dim3A_844 : i32 to vector<16xi32>
      %gather3A_846 = tpu.vector_load_idx %arg10[%broadcast_in_dim3A_845, %add3A_753] : memref<16x2048xf32, #tpu.memory_space<vmem>>[vector<16xi32>, vector<16xi32>], vector<16xf32>,
      %mul3A_847 = vector.broadcast %squeeze3A_70 : f32 to vector<16xf32>
      %mul3A_848 = arith.mulf %gather3A_846, %mul3A_847 : vector<16xf32>
      %add3A_849 = arith.addf %add3A_843, %mul3A_848 : vector<16xf32>
      %add3A_850 = vector.broadcast %squeeze3A_72 : f32 to vector<16xf32>
      %add3A_851 = arith.addf %add3A_849, %add3A_850 : vector<16xf32>
      %neg3A = arith.constant 0.000000e+00 : f32
      %neg3A_852 = vector.broadcast %neg3A : f32 to vector<16xf32>
      %neg3A_853 = arith.subf %neg3A_852, %add3A_851 : vector<16xf32>
      %exp3A = math.exp %neg3A_853 : vector<16xf32>
      %add3A_854 = arith.constant 1.000000e+00 : f32
      %add3A_855 = vector.broadcast %add3A_854 : f32 to vector<16xf32>
      %add3A_856 = arith.addf %add3A_855, %exp3A : vector<16xf32>
      %div3A = arith.constant 1.000000e+00 : f32
      %div3A_857 = vector.broadcast %div3A : f32 to vector<16xf32>
      %div3A_858 = arith.divf %div3A_857, %add3A_856 : vector<16xf32>
      %swap3A = arith.index_cast %mul3A_351 : i32 to index
      %swap3A_859 = tpu.vector_load %arg12[%swap3A] {strides = array<i32>} : memref<512xf32, #tpu.memory_space<vmem>>, vector<16xf32>,
      tpu.vector_store %arg12[%swap3A], %div3A_858 {strides = array<i32>} : memref<512xf32, #tpu.memory_space<vmem>>, vector<16xf32>,
    }
    %scan3A_348 = arith.constant 32 : i32
    "tpu.region"() ({
      %run_scoped3A_349 = tpu.sem_alloc : memref<!tpu.dma_semaphore, #tpu.memory_space<semaphore_mem>>
      %dma_start3A_350 = tpu.memref_slice %arg6[%mul3A_2] : memref<16384xf32, #tpu.memory_space<hbm>> -> memref<512xf32, #tpu.memory_space<hbm>>
      %dma_start3A_351 = tpu.memref_slice %arg6[%mul3A_2] : memref<16384xf32, #tpu.memory_space<hbm>> -> memref<512xf32, #tpu.memory_space<hbm>>
      tpu.enqueue_dma source(%arg12 : memref<512xf32, #tpu.memory_space<vmem>>) target(%dma_start3A_351 : memref<512xf32, #tpu.memory_space<hbm>>) target_semaphore(%run_scoped3A_349 : memref<!tpu.dma_semaphore, #tpu.memory_space<semaphore_mem>>)
      %dma_wait3A = tpu.memref_slice %arg6[%mul3A_2] : memref<16384xf32, #tpu.memory_space<hbm>> -> memref<512xf32, #tpu.memory_space<hbm>>
      %dma_wait3A_352 = tpu.memref_slice %arg6[%mul3A_2] : memref<16384xf32, #tpu.memory_space<hbm>> -> memref<512xf32, #tpu.memory_space<hbm>>
      tpu.wait_dma2 semaphore(%run_scoped3A_349 : memref<!tpu.dma_semaphore, #tpu.memory_space<semaphore_mem>>) src(%arg12 : memref<512xf32, #tpu.memory_space<vmem>>) dst(%dma_wait3A_352 : memref<512xf32, #tpu.memory_space<hbm>>)
      tpu.yield
    }) : () -> ()
    return
  }
}

</mosaic_0001>

<sc_bundles>
// kernel: kernel.3.cloned.1.call-start
scs
__scs_entry_jumppad:
0x0: {  	(pc) =	sbr.rel $0x88, $3  }
0x1: {  	(tag) =	ssettag $0x0;
	lr =	simm.s32 $0x1  }
0x2: {  	[smem:$0x3F9C] =	sst lr;
	_ =	strace $0xD0000000  }
0x3: {  	_ = 	snop  }
0x4: {  	_ = 	snop  }
0x5: {  	_ = 	snop  }
0x6: {  	_ = 	snop  }
0x7: {  	_ = 	snop  }
__scs_overlays_trampoline_lowered:
0x8: {  	[smem:$0x3FAB] =	sst s0  }
0x9: {  	[smem:$0x3FAC] =	sst s1  }
0xa: {  	[smem:$0x3FAD] =	sst s2  }
0xb: {  	[smem:$0x3FAE] =	sst s3  }
0xc: {  	[smem:$0x3FAF] =	sst s4  }
0xd: {  	[smem:$0x3FB0] =	sst s5  }
0xe: {  	[smem:$0x3FB1] =	sst s6  }
0xf: {  	[smem:$0x3FB2] =	sst s7  }
0x10: {  	[smem:$0x3FB3] =	sst s8  }
0x11: {  	[smem:$0x3FB4] =	sst s9;
	s0 =	simm.s32 @!p0 $0x0  }
0x12: {  	s1 =	sld [smem:$0x3F9A];
	s0 =	simm.s32 @p0 $0x1  }
0x13: {  	[smem:$0x3FB5] =	sst s0;
	s0 =	simm.s32 @!p1 $0x0  }
0x14: {  	s2 =	sld [smem:$0x3F99];
	s0 =	simm.s32 @p1 $0x1  }
0x15: {  	[smem:$0x3FB6] =	sst s0;
	s0 =	simm.s32 @!p2 $0x0  }
0x16: {  	s3 =	sld [smem:$0x3FDB];
	s0 =	simm.s32 @p2 $0x1  }
0x17: {  	s4 =	simm.s32 $0x1BF5;
	[smem:$0x3FB8] =	sst s0  }
0x18: {  	s0 =	sld [smem:$0x3F9B];
	_ =	swait.ge [sflag:s4], $0x0  }
0x19: {  	s7 =	sld [smem:$0x3F9C]  }
0x1a: {  	s8 =	sadd.s32 $0xFFFFE003, lr  }
0x1b: {  	s9 =	sadd.s32 $0xFFFFFEF7, lr;
	s5 =	simm.s32 $0xFFFFFFFF;
	p2 =	slt.u32 s8, $0xFFFFF086  }
0x1c: {  	p1 =	slt.u32 s9, $0xF7A;
	s5 =	simm.s32 @!p2 $0x0  }
0x1d: {  	s5 =	simm.s32 @p1 $0x1;
	p0 =	seq.s32 s7, s2  }
0x1e: {  	s7 =	smul.u32 @!p0 $0xF7A, s2;
	p2 =	seq.s32 @!p0 s5, $0x0  }
0x1f: {  	s9 =	smul.u32 $0xF7A, s1;
	s8 =	simm.s32 @!p0 $0x1BF5;
	p2 =	por !p2, p0  }
0x20: {  	[sflag:s8] =	ssyncset.s32 @!p0 $0xFFFFF086;
	s6 =	sadd.s32 @!p0 s3, s7;
	s7 =	simm.s32 @!p0 $0x108  }
0x21: {  	s3 =	sadd.s32 s3, s9;
	s6 =	sadd.s32 @!p0 $0x88, s6;
	s7 =	simm.s32 @p2 $0x1082  }
0x22: {  	[simem:s7], [sflag:s8] =	dma.local @!p0 [hbm:s6], $0xF7A  }
0x23: {  	s9 =	sor.u32 $0xD0000000, s2;
	s6 =	simm.s32 $0x108;
	_ =	swait.ge @!p0 [sflag:s8], $0x0  }
0x24: {  	s3 =	sadd.s32 $0x88, s3;
	s6 =	simm.s32 @!p1 $0x1082;
	[sflag:s4] =	ssyncset.s32 $0xFFFFF086  }
0x25: {  	[simem:s6], [sflag:s4] =	dma.local [hbm:s3], $0xF7A  }
0x26: {  	[smem:$0x3F9C] =	sst s1;
	(tag) =	ssettag s2;
	_ =	strace s9  }
0x27: {  	s1 =	sld [smem:$0x3FAC]  }
0x28: {  	s2 =	sld [smem:$0x3FAD]  }
0x29: {  	s4 =	sld [smem:$0x3FAF]  }
0x2a: {  	p0 =	seq.s32 s5, $0x0;
	s5 =	sld [smem:$0x3FB0]  }
0x2b: {  	s6 =	sld [smem:$0x3FB1]  }
0x2c: {  	s7 =	sld [smem:$0x3FB2]  }
0x2d: {  	s3 =	simm.s32 $0x108;
	s8 =	sld [smem:$0x3FB3]  }
0x2e: {  	s3 =	simm.s32 @!p0 $0x1082;
	s9 =	sld [smem:$0x3FB4]  }
0x2f: {  	lr =	sadd.s32 s0, s3;
	s0 =	sld [smem:$0x3FAB]  }
0x30: {  	s3 =	sld [smem:$0x3FAE]  }
0x31: {  	[smem:$0x3FB7] =	sst s10  }
0x32: {  	s10 =	sld [smem:$0x3FB5];
	_ =	sdelay $0x3  }
0x33: {  	p0 =	seq.s32 s10, $0x1;
	s10 =	sld [smem:$0x3FB7];
	_ =	sdelay $0x3  }
0x34: {  	[smem:$0x3FB7] =	sst s10  }
0x35: {  	s10 =	sld [smem:$0x3FB6];
	_ =	sdelay $0x3  }
0x36: {  	p1 =	seq.s32 s10, $0x1;
	s10 =	sld [smem:$0x3FB7];
	_ =	sdelay $0x3  }
0x37: {  	[smem:$0x3FB7] =	sst s10  }
0x38: {  	s10 =	sld [smem:$0x3FB8]  }
0x39: {  	_ = 	snop;
	(pc) =	sbr.ind lr, $3  }
0x3a: {  	_ = 	snop  }
0x3b: {  	_ = 	snop  }
0x3c: {  	p2 =	seq.s32 s10, $0x1;
	s10 =	sld [smem:$0x3FB7]  }
0x3d: {  	_ =	shalt  }
0x3e: {  	_ =	shalt  }
0x3f: {  	_ =	shalt  }
0x40: {  	_ =	shalt  }
0x41: {  	_ =	shalt  }
0x42: {  	_ =	shalt  }
0x43: {  	_ =	shalt  }
0x44: {  	_ =	shalt  }
0x45: {  	_ =	shalt  }
0x46: {  	_ =	shalt  }
0x47: {  	_ =	shalt  }
0x48: {  	_ =	shalt  }
0x49: {  	_ =	shalt  }
0x4a: {  	_ =	shalt  }
0x4b: {  	_ =	shalt  }
0x4c: {  	_ =	shalt  }
0x4d: {  	_ =	shalt  }
0x4e: {  	_ =	shalt  }
0x4f: {  	_ =	shalt  }
0x50: {  	_ =	shalt  }
0x51: {  	_ =	shalt  }
0x52: {  	_ =	shalt  }
0x53: {  	_ =	shalt  }
0x54: {  	_ =	shalt  }
0x55: {  	_ =	shalt  }
0x56: {  	_ =	shalt  }
0x57: {  	_ =	shalt  }
0x58: {  	_ =	shalt  }
0x59: {  	_ =	shalt  }
0x5a: {  	_ =	shalt  }
0x5b: {  	_ =	shalt  }
0x5c: {  	_ =	shalt  }
0x5d: {  	_ =	shalt  }
0x5e: {  	_ =	shalt  }
0x5f: {  	_ =	shalt  }
0x60: {  	_ =	shalt  }
0x61: {  	_ =	shalt  }
0x62: {  	_ =	shalt  }
0x63: {  	_ =	shalt  }
0x64: {  	_ =	shalt  }
0x65: {  	_ =	shalt  }
0x66: {  	_ =	shalt  }
0x67: {  	_ =	shalt  }
0x68: {  	_ =	shalt  }
0x69: {  	_ =	shalt  }
0x6a: {  	_ =	shalt  }
0x6b: {  	_ =	shalt  }
0x6c: {  	_ =	shalt  }
0x6d: {  	_ =	shalt  }
0x6e: {  	_ =	shalt  }
0x6f: {  	_ =	shalt  }
0x70: {  	_ =	shalt  }
0x71: {  	_ =	shalt  }
0x72: {  	_ =	shalt  }
0x73: {  	_ =	shalt  }
0x74: {  	_ =	shalt  }
0x75: {  	_ =	shalt  }
0x76: {  	_ =	shalt  }
0x77: {  	_ =	shalt  }
0x78: {  	_ =	shalt  }
0x79: {  	_ =	shalt  }
0x7a: {  	_ =	shalt  }
0x7b: {  	_ =	shalt  }
0x7c: {  	_ =	shalt  }
0x7d: {  	_ =	shalt  }
0x7e: {  	_ =	shalt  }
0x7f: {  	_ =	shalt  }
0x80: {  	_ =	shalt  }
0x81: {  	_ =	shalt  }
0x82: {  	_ =	shalt  }
0x83: {  	_ =	shalt  }
0x84: {  	_ =	shalt  }
0x85: {  	_ =	shalt  }
0x86: {  	_ =	shalt  }
0x87: {  	_ =	shalt  }
.Lfunc_end0:
.L_simem_size_0:
called_computation_lowered:
.L_overlay_start_0:
0x88: {  	s2 =	sld [smem:$0x3FD9]  }
0x89: {  	s3 =	sld [smem:$0x3FFE];
	_ =	sdelay $0x1  }
0x8a: {  	s1 =	srdreg.scid  }
0x8b: {  	s0 =	sand.u32 $0x1, s1  }
0x8c: {  	s17 =	sshll.u32 s0, $0xA;
	s2 =	sadd.s32 s3, s2  }
0x8d: {  	s2 =	sadd.s32 s2, s17  }
0x8e: {  	[smem:$0x3FC3] =	sst s2  }
0x8f: {  	_ = 	snop  }
0x90: {  	s2 =	sld [smem:$0x3FC9]  }
0x91: {  	s18 =	sld [smem:$0x3FC8]  }
0x92: {  	s4 =	sld [smem:$0x3FC7]  }
0x93: {  	s5 =	sld [smem:$0x3FD0];
	(tm) =	ssettm $0x1  }
0x94: {  	s6 =	sld [smem:$0x3FFB];
	_ =	sdelay $0x3  }
0x95: {  	_ =	strace s6  }
0x96: {  	s6 =	sld [smem:$0x3FFC];
	_ =	sdelay $0x3  }
0x97: {  	_ =	strace s6  }
0x98: {  	s6 =	sld [smem:$0x3FFD];
	_ =	sdelay $0x3  }
0x99: {  	_ =	strace s6  }
0x9a: {  	_ =	strace $0x8FFFFFFF  }
0x9b: {  	s19 =	sld [smem:$0x3FDB];
	_ =	sdelay $0x1  }
0x9c: {  	s7 =	simm.s32 $_scs_section_size  }
0x9d: {  	s8 =	simm.s32 $_size__tile_overlayer_lowered;
	s9 =	simm.s32 $_tile_overlayer_lowered  }
0x9e: {  	s22 =	simm.s32 $0x1BFF;
	s21 =	sshll.u32 s9, $0x1;
	s6 =	sadd.s32 s7, s19  }
0x9f: {  	s10 =	simm.s32 $0x0;
	s20 =	sshll.u32 s8, $0x1;
	s8 =	sadd.s32 s21, s6  }
0xa0: {  	[timem:s10], [sflag:s22] =	dma.local [hbm:s8], s20  }
0xa1: {  	_ =	swait.ge [sflag:s22], s20  }
0xa2: {  	s7 =	ssub.s32 $0x0, s20;
	[sflag:s22] =	ssyncset.done $0x0  }
0xa3: {  	[sflag:s22] =	ssyncadd.s32 s7;
	_ =	sdelay $0x1  }
0xa4: {  	s23 =	simm.s32 $0x1B8B  }
0xa5: {  	_ =	swait.ge [sflag:s23], $0x1  }
0xa6: {  	[sflag:s23] =	ssyncset.done $0x0  }
0xa7: {  	s25 =	simm.s32 $0x1B8E;
	s24 =	sld [smem:$0x3FFE];
	[sflag:s23] =	ssyncadd.s32 $0xFFFFFFFF  }
0xa8: {  	s26 =	simm.s32 $execute0_lowered;
	[smem:$0x3FD2] =	sst s25  }
0xa9: {  	s8 =	sshll.u32 s26, $0x1;
	_ =	strace $0x80000046;
	[dreg:$0x1] =	wrdreg $0xFFFFFFFF  }
0xaa: {  	s28 =	simm.s32 $_size_execute0_lowered;
	s6 =	sadd.s32 s6, s8;
	[dreg:$0x0] =	wrdreg $0x0  }
0xab: {  	s8 =	sshll.u32 s28, $0x1;
	[dreg:$0x2] =	wrdreg s6  }
0xac: {  	[dreg:$0x3] =	wrdreg s8  }
0xad: {  	[dreg:$0x4] =	wrdreg $0xC0  }
0xae: {  	_ =	task [dreg:s10], $0x5FFFF  }
0xaf: {  	[dreg:$0x1] =	wrdreg $0xFFFFFFFF  }
0xb0: {  	[dreg:$0x0] =	wrdreg $0x60  }
0xb1: {  	[dreg:$0x2] =	wrdreg s2  }
0xb2: {  	[dreg:$0x3] =	wrdreg s18  }
0xb3: {  	[dreg:$0x4] =	wrdreg s4  }
0xb4: {  	[dreg:$0x5] =	wrdreg s24  }
0xb5: {  	[dreg:$0x6] =	wrdreg s5  }
0xb6: {  	[dreg:$0x7] =	wrdreg $0x9  }
0xb7: {  	_ =	task.clear_ibuf [dreg:s10], $0x8FFFF;
	_ =	strace $0x90000046  }
0xb8: {  	s29 =	simm.s32 $0x9;
	_ =	strace $0x80000048  }
0xb9: {  	_ =	swait.ge [sflag:s29], $0x1  }
0xba: {  	[sflag:s29] =	ssyncadd.s32 $0xFFFFFFFF  }
0xbb: {  	_ =	strace $0x90000048  }
0xbc: {  	_ =	sfence  }
0xbd: {  	s30 =	sld [smem:$0x0];
	_ =	sdelay $0x2  }
0xbe: {  	s31 =	sshll.u32 s1, $0xD;
	s1 =	sshrl.u32 s1, $0x2  }
0xbf: {  	s3 =	sand.u32 $0x4000, s31;
	s1 =	sadd.s32 s1, s30  }
0xc0: {  	s0 =	sor.u32 s3, s0;
	s1 =	sshll.u32 s1, $0x11  }
0xc1: {  	s0 =	sor.u32 s1, s0  }
0xc2: {  	s0 =	sadd.s32 $0x8F2B, s0  }
0xc3: {  	[sflag:s0] =	ssyncadd.remote.s32 $0x1  }
0xc4: {  	_ =	sfence.sel $0xFFFF  }
0xc5: {  	[dreg:$0x0] =	wrdreg $0xFFFFFFFF;
	(pc) =	sbr.abs _section_cstart, $3  }
0xc6: {  	[dreg:$0x1] =	wrdreg $0xFFFFFFFF  }
0xc7: {  	_ =	task.clear_ibuf [dreg:s10], $0x2FFFF;
	_ =	strace $0x9FFFFFFF  }
0xc8: {  	(tm) =	ssettm $0x7FFFFFFF  }
0xc9: {  	_ =	shalt  }
tec
execute0_lowered:
.L_overlay_start_1:
0x0: {  	(tag) =	ssettag $0x1  }
0x1: {  	s0 =	rddreg [dreg:$0x0]  }
0x2: {  	s1 =	rddreg [dreg:$0x1]  }
0x3: {  	s2 =	rddreg [dreg:$0x2]  }
0x4: {  	s3 =	rddreg [dreg:$0x3]  }
0x5: {  	s5 =	rddreg [dreg:$0x4]  }
0x6: {  	s4 =	srdreg.scid;
	s7 =	stileid.u32  }
0x7: {  	s31 =	simm.s32 $0x3;
	s15 =	simm.s32 $0x400;
	s20 =	simm.s32 $0x8400  }
0x8: {  	s10 =	simm.s32 $0xDC00;
	s14 =	simm.s32 $0xA000;
	s12 =	simm.s32 $0xE000  }
0x9: {  	s13 =	simm.s32 $0xE400;
	s9 =	simm.s32 $0xAC00;
	s11 =	simm.s32 $0xB000  }
0xa: {  	s16 =	simm.s32 $0xF000;
	s17 =	simm.s32 $0xB400;
	s18 =	simm.s32 $0xF400  }
0xb: {  	s19 =	simm.s32 $0xB800;
	s21 =	simm.s32 $0xF800;
	s22 =	simm.s32 $0xBC00  }
0xc: {  	s23 =	simm.s32 $0xFC00;
	s24 =	simm.s32 $0xC000;
	s28 =	simm.s32 $0x2  }
0xd: {  	s6 =	sand.u32 $0x1, s4;
	s4 =	simm.s32 $0x0;
	s7 =	sshll.u32 s7, $0xA  }
0xe: {  	s3 =	sadd.s32 $0x400, s3;
	s8 =	sshll.u32 s6, $0x9;
	[smem:$0x7FF] =	sst s4  }
0xf: {  	v0 =	vlaneseq.u32;
	s6 =	ssub.s32 $0x2, s6;
	s7 =	sor.u32 s8, s7;
	_ =	strace $0x80000047  }
0x10: {  	v0 =	vmul.u32 $0x400, v0;
	[dreg:$0x6] =	wrdreg s3;
	s25 =	sshrl.u32 s6, $0x1;
	s8 =	sshrl.u32 s7, $0x2  }
0x11: {  	s26 =	ssub.s32 s6, s25;
	s30 =	sshrl.u32 s7, $0x3;
	s7 =	simm.s32 $0xA800  }
.Ltmp0:
0x12: {  	v1 =	vor.u32 $0x80, v0;
	v2 =	vor.u32 $0x100, v0;
	v3 =	vor.u32 $0x180, v0;
	s6 =	simm.s32 $0xEC00;
	s8 =	sadd.s32 s0, s8;
	(pc) =	sbr.rel .LBB2_1-.Ltmp0, $4  }
0x13: {  	v4 =	vor.u32 $0x200, v0;
	v5 =	vor.u32 $0x280, v0;
	v6 =	vor.u32 $0x300, v0;
	s25 =	simm.s32 $0x10000;
	s3 =	sadd.s32 s5, s30;
	[dreg:$0x7] =	wrdreg s8  }
0x14: {  	v7 =	vor.u32 $0x380, v0;
	v8 =	vor.u32 $0x4000, v0;
	v9 =	vor.u32 $0x4080, v0;
	s0 =	smax.u32 s26, $0x1;
	s5 =	simm.s32 $0xA400;
	[dreg:$0x9] =	wrdreg s3  }
0x15: {  	v10 =	vor.u32 $0x4100, v0;
	v11 =	vor.u32 $0x4180, v0;
	v12 =	vor.u32 $0x4200, v0;
	s26 =	simm.s32 $0x1;
	s29 =	sadd.s32 $0x10, s8;
	[dreg:$0xa] =	wrdreg s0  }
0x16: {  	v13 =	vor.u32 $0x4280, v0;
	v14 =	vor.u32 $0x4300, v0;
	v15 =	vor.u32 $0x4380, v0;
	s8 =	simm.s32 $0xE800;
	s0 =	simm.s32 $0x0;
	[dreg:$0x8] =	wrdreg s29  }
.LBB2_5:
0x17: {  	s29 =	rddreg [dreg:$0x9];
	s0 =	simm.s32 $0x10480;
	s31 =	simm.s32 $0x3  }
0x18: {  	[hbm4b:s29+s4] =	stream.linear.scatter [tilespmem:s0], [sflag:$0x3], $0x200, $0x38;
	[tilespmem:$0x10680] =	vst v63  }
0x19: {  	_ =	swait.ge [sflag:s31], $0x200  }
0x1a: {  	s29 =	rddreg [dreg:$0xb]  }
0x1b: {  	s30 =	rddreg [dreg:$0xa];
	s0 =	sadd.s32 $0x1, s29  }
0x1c: {  	p0 =	sne.s32 s0, s30  }
.Ltmp1:
0x1d: {  	_ = 	snop;
	(pc) =	sbr.rel @!p0 .LBB2_6-.Ltmp1, $3  }
0x1e: {  	_ =	sdelay $0x1  }
0x1f: {  	[sflag:s31] =	ssyncset.done $0x0  }
0x20: {  	[sflag:s31] =	ssyncadd.s32 $0xFFFFFE00  }
.LBB2_1:
0x21: {  	[dreg:$0xb] =	wrdreg s0  }
0x22: {  	s29 =	rddreg [dreg:$0x6];
	s30 =	simm.s32 $0x10400  }
0x23: {  	[tilespmem:s30], [sflag:$0x3] =	stream.linear.gather [hbm4b:s29+s4], $0x80, $0x38;
	[tilespmem:$0x10680] =	vst v63  }
0x24: {  	_ =	swait.ge [sflag:s31], $0x80  }
0x25: {  	s0 =	simm.s32 $0x100;
	[sflag:s31] =	ssyncset.done $0x0  }
0x26: {  	s30 =	simm.s32 $0x80;
	s29 =	rddreg [dreg:$0x7];
	[sflag:s31] =	ssyncadd.s32 $0xFFFFFF80  }
0x27: {  	[tilespmem:s4], [sflag:$0x3] =	stream.strided.gather [hbm4b:s29+s30], $0x200, s0, s30, $0x38;
	[tilespmem:$0x10680] =	vst v63  }
0x28: {  	_ =	swait.ge [sflag:s31], $0x200  }
0x29: {  	[sflag:s31] =	ssyncset.done $0x0  }
0x2a: {  	s3 =	simm.s32 $0x200;
	s29 =	rddreg [dreg:$0x8];
	[sflag:s31] =	ssyncadd.s32 $0xFFFFFE00  }
0x2b: {  	[tilespmem:s3], [sflag:$0x3] =	stream.strided.gather [hbm4b:s29+s30], $0x200, s0, s30, $0x38;
	[tilespmem:$0x10680] =	vst v63  }
0x2c: {  	_ =	swait.ge [sflag:s31], $0x200  }
0x2d: {  	[sflag:s31] =	ssyncset.done $0x0  }
0x2e: {  	[sflag:s31] =	ssyncadd.s32 $0xFFFFFE00  }
0x2f: {  	v17 =	vld [tilespmem:$0x0];
	_ =	sdelay $0x4  }
0x30: {  	(v2sf) =	vpush v17, $0x0;
	_ =	sdelay $0x5  }
0x31: {  	(v2sf) =	vpush v17, $0x1;
	_ =	sdelay $0x5  }
0x32: {  	(v2sf) =	vpush v17, $0x2;
	_ =	sdelay $0x2  }
0x33: {  	s29 =	spop (v2sf)  }
0x34: {  	v32 =	vld [tilespmem:$0x10400];
	s29 =	sand.u32 $0xFFFFF80, s29  }
0x35: {  	v16 =	vld [tilespmem:$0x10410];
	s29 =	sadd.s32 s1, s29  }
0x36: {  	v18 =	vld.msk [tilespmem:$0x10420 ss:$0x0], $0xffff;
	(v2sf) =	vpush v17, $0x3;
	[tilespmem:s15], [sflag:$0x1] =	stream.linear.gather [hbm4b:s29+s4], $0x400, $0x38  }
0x37: {  	s30 =	simm.s32 $0x4400;
	s29 =	sadd.s32 $0xF4280, s29  }
0x38: {  	[tilespmem:s30], [sflag:$0x1] =	stream.linear.gather [hbm4b:s29+s4], $0x400, $0x38;
	[tilespmem:$0x10680] =	vst v63  }
0x39: {  	s29 =	spop (v2sf)  }
0x3a: {  	s29 =	sand.u32 $0xFFFFF80, s29  }
0x3b: {  	s3 =	simm.s32 $0x800;
	s29 =	sadd.s32 s1, s29  }
0x3c: {  	(v2sf) =	vpush v17, $0x4;
	[tilespmem:s3], [sflag:$0x1] =	stream.linear.gather [hbm4b:s29+s4], $0x400, $0x38;
	[tilespmem:$0x10680] =	vst v63  }
0x3d: {  	s0 =	simm.s32 $0x4800;
	s29 =	sadd.s32 $0xF4280, s29  }
0x3e: {  	[tilespmem:s0], [sflag:$0x1] =	stream.linear.gather [hbm4b:s29+s4], $0x400, $0x38;
	[tilespmem:$0x10680] =	vst v63  }
0x3f: {  	s29 =	spop (v2sf)  }
0x40: {  	s29 =	sand.u32 $0xFFFFF80, s29  }
0x41: {  	s30 =	simm.s32 $0xC00;
	s29 =	sadd.s32 s1, s29  }
0x42: {  	(v2sf) =	vpush v17, $0x5;
	[tilespmem:s30], [sflag:$0x1] =	stream.linear.gather [hbm4b:s29+s4], $0x400, $0x38;
	[tilespmem:$0x10680] =	vst v63  }
0x43: {  	s31 =	simm.s32 $0x4C00;
	s29 =	sadd.s32 $0xF4280, s29  }
0x44: {  	[tilespmem:s31], [sflag:$0x1] =	stream.linear.gather [hbm4b:s29+s4], $0x400, $0x38;
	[tilespmem:$0x10680] =	vst v63  }
0x45: {  	s29 =	spop (v2sf)  }
0x46: {  	s29 =	sand.u32 $0xFFFFF80, s29  }
0x47: {  	s30 =	simm.s32 $0x1000;
	s29 =	sadd.s32 s1, s29  }
0x48: {  	(v2sf) =	vpush v17, $0x6;
	[tilespmem:s30], [sflag:$0x1] =	stream.linear.gather [hbm4b:s29+s4], $0x400, $0x38;
	[tilespmem:$0x10680] =	vst v63  }
0x49: {  	s31 =	simm.s32 $0x5000;
	s29 =	sadd.s32 $0xF4280, s29  }
0x4a: {  	[tilespmem:s31], [sflag:$0x1] =	stream.linear.gather [hbm4b:s29+s4], $0x400, $0x38;
	[tilespmem:$0x10680] =	vst v63  }
0x4b: {  	s29 =	spop (v2sf)  }
0x4c: {  	s29 =	sand.u32 $0xFFFFF80, s29  }
0x4d: {  	s30 =	simm.s32 $0x1400;
	s29 =	sadd.s32 s1, s29  }
0x4e: {  	(v2sf) =	vpush v17, $0x7;
	[tilespmem:s30], [sflag:$0x1] =	stream.linear.gather [hbm4b:s29+s4], $0x400, $0x38;
	[tilespmem:$0x10680] =	vst v63  }
0x4f: {  	s31 =	simm.s32 $0x5400;
	s29 =	sadd.s32 $0xF4280, s29  }
0x50: {  	[tilespmem:s31], [sflag:$0x1] =	stream.linear.gather [hbm4b:s29+s4], $0x400, $0x38;
	[tilespmem:$0x10680] =	vst v63  }
0x51: {  	s29 =	spop (v2sf)  }
0x52: {  	s29 =	sand.u32 $0xFFFFF80, s29  }
0x53: {  	s30 =	simm.s32 $0x1800;
	s29 =	sadd.s32 s1, s29  }
0x54: {  	(v2sf) =	vpush v17, $0x8;
	[tilespmem:s30], [sflag:$0x1] =	stream.linear.gather [hbm4b:s29+s4], $0x400, $0x38;
	[tilespmem:$0x10680] =	vst v63  }
0x55: {  	s31 =	simm.s32 $0x5800;
	s29 =	sadd.s32 $0xF4280, s29  }
0x56: {  	[tilespmem:s31], [sflag:$0x1] =	stream.linear.gather [hbm4b:s29+s4], $0x400, $0x38;
	[tilespmem:$0x10680] =	vst v63  }
0x57: {  	s29 =	spop (v2sf)  }
0x58: {  	s29 =	sand.u32 $0xFFFFF80, s29  }
0x59: {  	s30 =	simm.s32 $0x1C00;
	s29 =	sadd.s32 s1, s29  }
0x5a: {  	(v2sf) =	vpush v17, $0x9;
	[tilespmem:s30], [sflag:$0x1] =	stream.linear.gather [hbm4b:s29+s4], $0x400, $0x38;
	[tilespmem:$0x10680] =	vst v63  }
0x5b: {  	s31 =	simm.s32 $0x5C00;
	s29 =	sadd.s32 $0xF4280, s29  }
0x5c: {  	[tilespmem:s31], [sflag:$0x1] =	stream.linear.gather [hbm4b:s29+s4], $0x400, $0x38;
	[tilespmem:$0x10680] =	vst v63  }
0x5d: {  	s29 =	spop (v2sf)  }
0x5e: {  	s29 =	sand.u32 $0xFFFFF80, s29  }
0x5f: {  	s30 =	simm.s32 $0x2000;
	s29 =	sadd.s32 s1, s29  }
0x60: {  	(v2sf) =	vpush v17, $0xA;
	[tilespmem:s30], [sflag:$0x1] =	stream.linear.gather [hbm4b:s29+s4], $0x400, $0x38;
	[tilespmem:$0x10680] =	vst v63  }
0x61: {  	s31 =	simm.s32 $0x6000;
	s29 =	sadd.s32 $0xF4280, s29  }
0x62: {  	[tilespmem:s31], [sflag:$0x1] =	stream.linear.gather [hbm4b:s29+s4], $0x400, $0x38;
	[tilespmem:$0x10680] =	vst v63  }
0x63: {  	s29 =	spop (v2sf)  }
0x64: {  	s29 =	sand.u32 $0xFFFFF80, s29  }
0x65: {  	s30 =	simm.s32 $0x2400;
	s29 =	sadd.s32 s1, s29  }
0x66: {  	(v2sf) =	vpush v17, $0xB;
	[tilespmem:s30], [sflag:$0x1] =	stream.linear.gather [hbm4b:s29+s4], $0x400, $0x38;
	[tilespmem:$0x10680] =	vst v63  }
0x67: {  	s31 =	simm.s32 $0x6400;
	s29 =	sadd.s32 $0xF4280, s29  }
0x68: {  	[tilespmem:s31], [sflag:$0x1] =	stream.linear.gather [hbm4b:s29+s4], $0x400, $0x38;
	[tilespmem:$0x10680] =	vst v63  }
0x69: {  	s29 =	spop (v2sf)  }
0x6a: {  	s29 =	sand.u32 $0xFFFFF80, s29  }
0x6b: {  	s30 =	simm.s32 $0x2800;
	s29 =	sadd.s32 s1, s29  }
0x6c: {  	(v2sf) =	vpush v17, $0xC;
	[tilespmem:s30], [sflag:$0x1] =	stream.linear.gather [hbm4b:s29+s4], $0x400, $0x38;
	[tilespmem:$0x10680] =	vst v63  }
0x6d: {  	s31 =	simm.s32 $0x6800;
	s29 =	sadd.s32 $0xF4280, s29  }
0x6e: {  	[tilespmem:s31], [sflag:$0x1] =	stream.linear.gather [hbm4b:s29+s4], $0x400, $0x38;
	[tilespmem:$0x10680] =	vst v63  }
0x6f: {  	s29 =	spop (v2sf)  }
0x70: {  	s29 =	sand.u32 $0xFFFFF80, s29  }
0x71: {  	s30 =	simm.s32 $0x2C00;
	s29 =	sadd.s32 s1, s29  }
0x72: {  	(v2sf) =	vpush v17, $0xD;
	[tilespmem:s30], [sflag:$0x1] =	stream.linear.gather [hbm4b:s29+s4], $0x400, $0x38;
	[tilespmem:$0x10680] =	vst v63  }
0x73: {  	s31 =	simm.s32 $0x6C00;
	s29 =	sadd.s32 $0xF4280, s29  }
0x74: {  	[tilespmem:s31], [sflag:$0x1] =	stream.linear.gather [hbm4b:s29+s4], $0x400, $0x38;
	[tilespmem:$0x10680] =	vst v63  }
0x75: {  	s29 =	spop (v2sf)  }
0x76: {  	s29 =	sand.u32 $0xFFFFF80, s29  }
0x77: {  	s30 =	simm.s32 $0x3000;
	s29 =	sadd.s32 s1, s29  }
0x78: {  	(v2sf) =	vpush v17, $0xE;
	[tilespmem:s30], [sflag:$0x1] =	stream.linear.gather [hbm4b:s29+s4], $0x400, $0x38;
	[tilespmem:$0x10680] =	vst v63  }
0x79: {  	s31 =	simm.s32 $0x7000;
	s29 =	sadd.s32 $0xF4280, s29  }
0x7a: {  	[tilespmem:s31], [sflag:$0x1] =	stream.linear.gather [hbm4b:s29+s4], $0x400, $0x38;
	[tilespmem:$0x10680] =	vst v63  }
0x7b: {  	s29 =	spop (v2sf)  }
0x7c: {  	s29 =	sand.u32 $0xFFFFF80, s29  }
0x7d: {  	s30 =	simm.s32 $0x3400;
	s29 =	sadd.s32 s1, s29  }
0x7e: {  	(v2sf) =	vpush v17, $0xF;
	[tilespmem:s30], [sflag:$0x1] =	stream.linear.gather [hbm4b:s29+s4], $0x400, $0x38;
	[tilespmem:$0x10680] =	vst v63  }
0x7f: {  	s31 =	simm.s32 $0x7400;
	s29 =	sadd.s32 $0xF4280, s29  }
0x80: {  	[tilespmem:s31], [sflag:$0x1] =	stream.linear.gather [hbm4b:s29+s4], $0x400, $0x38;
	[tilespmem:$0x10680] =	vst v63  }
0x81: {  	s29 =	spop (v2sf)  }
0x82: {  	s29 =	sand.u32 $0xFFFFF80, s29  }
0x83: {  	s30 =	simm.s32 $0x3800;
	s29 =	sadd.s32 s1, s29  }
0x84: {  	v19 =	vbroadcast v32, $0x2;
	v20 =	vbroadcast v32, $0x3;
	[tilespmem:s30], [sflag:$0x1] =	stream.linear.gather [hbm4b:s29+s4], $0x400, $0x38;
	[tilespmem:$0x10680] =	vst v63  }
0x85: {  	v21 =	vbroadcast v32, $0x4;
	v22 =	vbroadcast v32, $0x5;
	s31 =	simm.s32 $0x7800;
	s29 =	sadd.s32 $0xF4280, s29  }
0x86: {  	v23 =	vbroadcast v32, $0x6;
	v24 =	vbroadcast v32, $0x7;
	[tilespmem:s31], [sflag:$0x1] =	stream.linear.gather [hbm4b:s29+s4], $0x400, $0x38;
	[tilespmem:$0x10680] =	vst v63  }
0x87: {  	v25 =	vbroadcast v32, $0x8;
	v26 =	vbroadcast v32, $0x9;
	s29 =	spop (v2sf)  }
0x88: {  	v27 =	vbroadcast v32, $0xA;
	v28 =	vbroadcast v32, $0xB;
	s29 =	sand.u32 $0xFFFFF80, s29  }
0x89: {  	v29 =	vbroadcast v32, $0xC;
	v30 =	vbroadcast v32, $0xD;
	s30 =	simm.s32 $0x3C00;
	s29 =	sadd.s32 s1, s29  }
0x8a: {  	v31 =	vbroadcast v32, $0xE;
	v33 =	vbroadcast v16, $0x0;
	[tilespmem:s30], [sflag:$0x1] =	stream.linear.gather [hbm4b:s29+s4], $0x400, $0x38;
	[tilespmem:$0x10680] =	vst v63  }
0x8b: {  	v34 =	vbroadcast v16, $0x1;
	v35 =	vbroadcast v16, $0x2;
	s31 =	simm.s32 $0x7C00;
	s29 =	sadd.s32 $0xF4280, s29  }
0x8c: {  	v36 =	vbroadcast v16, $0x3;
	v37 =	vbroadcast v16, $0x4;
	[tilespmem:s31], [sflag:$0x1] =	stream.linear.gather [hbm4b:s29+s4], $0x400, $0x38;
	[tilespmem:$0x10680] =	vst v63  }
0x8d: {  	v38 =	vbroadcast v16, $0x5;
	v39 =	vbroadcast v16, $0x6;
	s29 =	spop (v2sf)  }
0x8e: {  	v40 =	vbroadcast v16, $0x7;
	v41 =	vbroadcast v16, $0x8;
	s29 =	sand.u32 $0xFFFFF80, s29  }
.Ltmp2:
0x8f: {  	[tilespmem:$0x1FFD0] =	vst v18;
	v42 =	vbroadcast v16, $0x9;
	v17 =	vbroadcast v32, $0x0;
	s30 =	simm.s32 $0x4000;
	s29 =	sadd.s32 s1, s29;
	(pc) =	sbr.rel .LBB2_2-.Ltmp2, $4  }
0x90: {  	v43 =	vbroadcast v16, $0xA;
	v44 =	vbroadcast v16, $0xB;
	[tilespmem:s30], [sflag:$0x1] =	stream.linear.gather [hbm4b:s29+s4], $0x400, $0x38;
	[tilespmem:$0x10680] =	vst v63  }
0x91: {  	v45 =	vbroadcast v16, $0xC;
	[tilespmem:$0x1FFE0] =	vst v17;
	v17 =	vbroadcast v32, $0x1;
	s31 =	simm.s32 $0x8000;
	s29 =	sadd.s32 $0xF4280, s29  }
0x92: {  	v46 =	vbroadcast v16, $0xD;
	v47 =	vbroadcast v16, $0xE;
	[tilespmem:s31], [sflag:$0x1] =	stream.linear.gather [hbm4b:s29+s4], $0x400, $0x38;
	[tilespmem:$0x10680] =	vst v63  }
0x93: {  	v48 =	vbroadcast v16, $0xF;
	v32 =	vbroadcast v32, $0xF;
	[tilespmem:$0x1FFF0] =	vst v17;
	s29 =	simm.s32 $0x0  }
.LBB2_4:
0x94: {  	v17 =	vld [tilespmem:$0x1FFE0];
	_ =	sdelay $0x1  }
0x95: {  	v18 =	vld [tilespmem:$0x1FFF0];
	_ =	sdelay $0x2  }
0x96: {  	v17 =	vmul.f32 v58, v17;
	_ =	sdelay $0x1  }
0x97: {  	v18 =	vmul.f32 v59, v18;
	v17 =	vadd.f32 $0.0e+00, v17;
	_ =	sdelay $0x1  }
0x98: {  	v17 =	vadd.f32 v18, v17;
	v18 =	vmul.f32 v60, v19;
	_ =	sdelay $0x1  }
0x99: {  	v17 =	vadd.f32 v18, v17;
	v18 =	vmul.f32 v61, v20;
	_ =	sdelay $0x1  }
0x9a: {  	v17 =	vadd.f32 v18, v17;
	v18 =	vmul.f32 v62, v21;
	_ =	sdelay $0x1  }
0x9b: {  	v17 =	vadd.f32 v18, v17;
	v18 =	vmul.f32 v63, v22;
	_ =	sdelay $0x1  }
0x9c: {  	v16 =	vmul.f32 v16, v23;
	v17 =	vadd.f32 v18, v17  }
0x9d: {  	_ =	swait.ge [sflag:s28], $0x8000  }
0x9e: {  	[sflag:s28] =	ssyncset.done $0x0;
	v16 =	vadd.f32 v16, v17;
	v17 =	vmul.f32 v57, v24  }
0x9f: {  	[sflag:s28] =	ssyncadd.s32 $0xFFFF8000  }
0xa0: {  	v18 =	vld [tilespmem:s30+$0x200];
	v16 =	vadd.f32 v17, v16;
	v17 =	vmul.f32 v56, v25;
	_ =	sdelay $0x1  }
0xa1: {  	v16 =	vadd.f32 v17, v16;
	v17 =	vmul.f32 v54, v26;
	_ =	sdelay $0x1  }
0xa2: {  	v16 =	vadd.f32 v17, v16;
	v17 =	vmul.f32 v55, v27  }
0xa3: {  	v18 =	vand.u32 $0x7F, v18  }
0xa4: {  	v57 =	vor.u32 v0, v18;
	v16 =	vadd.f32 v17, v16;
	v17 =	vmul.f32 v53, v28;
	_ =	sdelay $0x1  }
0xa5: {  	v58 =	vor.u32 v1, v18;
	v16 =	vadd.f32 v17, v16;
	v17 =	vmul.f32 v52, v29;
	_ =	sdelay $0x1  }
0xa6: {  	v59 =	vor.u32 v2, v18;
	v16 =	vadd.f32 v17, v16;
	v17 =	vmul.f32 v51, v30  }
0xa7: {  	v53 =	vld.idx.msk [tilespmem:v57+s20+$0x0], $0xffff  }
0xa8: {  	v60 =	vor.u32 v3, v18;
	v16 =	vadd.f32 v17, v16;
	v17 =	vmul.f32 v50, v31  }
0xa9: {  	v52 =	vld.idx.msk [tilespmem:v58+s20+$0x0], $0xffff  }
0xaa: {  	v61 =	vor.u32 v4, v18;
	v16 =	vadd.f32 v17, v16;
	v17 =	vmul.f32 v49, v32  }
0xab: {  	v51 =	vld.idx.msk [tilespmem:v59+s20+$0x0], $0xffff  }
0xac: {  	v62 =	vor.u32 v5, v18;
	v16 =	vadd.f32 v17, v16;
	v17 =	vmul.f32 v53, v33  }
0xad: {  	v50 =	vld.idx.msk [tilespmem:v60+s20+$0x0], $0xffff  }
0xae: {  	v63 =	vor.u32 v6, v18;
	v16 =	vadd.f32 v17, v16;
	v17 =	vmul.f32 v52, v34  }
0xaf: {  	v49 =	vld.idx.msk [tilespmem:v61+s20+$0x0], $0xffff  }
0xb0: {  	v56 =	vor.u32 v7, v18;
	v16 =	vadd.f32 v17, v16;
	v17 =	vmul.f32 v51, v35  }
0xb1: {  	v53 =	vld.idx.msk [tilespmem:v62+s20+$0x0], $0xffff  }
0xb2: {  	v57 =	vor.u32 v8, v18;
	v16 =	vadd.f32 v17, v16;
	v17 =	vmul.f32 v50, v36  }
0xb3: {  	v52 =	vld.idx.msk [tilespmem:v63+s20+$0x0], $0xffff  }
0xb4: {  	v58 =	vor.u32 v9, v18;
	v16 =	vadd.f32 v17, v16;
	v17 =	vmul.f32 v49, v37  }
0xb5: {  	v51 =	vld.idx.msk [tilespmem:v56+s20+$0x0], $0xffff  }
0xb6: {  	v59 =	vor.u32 v10, v18;
	v16 =	vadd.f32 v17, v16;
	v17 =	vmul.f32 v53, v38  }
0xb7: {  	v50 =	vld.idx.msk [tilespmem:v57+s20+$0x0], $0xffff  }
0xb8: {  	v60 =	vor.u32 v11, v18;
	v16 =	vadd.f32 v17, v16;
	v17 =	vmul.f32 v52, v39  }
0xb9: {  	v49 =	vld.idx.msk [tilespmem:v58+s20+$0x0], $0xffff  }
0xba: {  	v61 =	vor.u32 v12, v18;
	v16 =	vadd.f32 v17, v16;
	v17 =	vmul.f32 v51, v40  }
0xbb: {  	v53 =	vld.idx.msk [tilespmem:v59+s20+$0x0], $0xffff  }
0xbc: {  	v62 =	vor.u32 v13, v18;
	v16 =	vadd.f32 v17, v16;
	v17 =	vmul.f32 v50, v41  }
0xbd: {  	v52 =	vld.idx.msk [tilespmem:v60+s20+$0x0], $0xffff  }
0xbe: {  	v63 =	vor.u32 v14, v18;
	v16 =	vadd.f32 v17, v16;
	v17 =	vmul.f32 v49, v42  }
0xbf: {  	v51 =	vld.idx.msk [tilespmem:v61+s20+$0x0], $0xffff  }
0xc0: {  	v18 =	vor.u32 v15, v18;
	v16 =	vadd.f32 v17, v16;
	v17 =	vmul.f32 v53, v43  }
0xc1: {  	v50 =	vld.idx.msk [tilespmem:v62+s20+$0x0], $0xffff  }
0xc2: {  	v16 =	vadd.f32 v17, v16;
	v17 =	vmul.f32 v52, v44  }
0xc3: {  	v49 =	vld.idx.msk [tilespmem:v63+s20+$0x0], $0xffff  }
0xc4: {  	v16 =	vadd.f32 v17, v16;
	v17 =	vmul.f32 v51, v45  }
0xc5: {  	v18 =	vld.idx.msk [tilespmem:v18+s20+$0x0], $0xffff  }
0xc6: {  	v16 =	vadd.f32 v17, v16;
	v17 =	vmul.f32 v50, v46;
	_ =	sdelay $0x1  }
0xc7: {  	v16 =	vadd.f32 v17, v16;
	v17 =	vmul.f32 v49, v47;
	_ =	sdelay $0x1  }
0xc8: {  	v16 =	vadd.f32 v17, v16;
	v17 =	vmul.f32 v18, v48;
	_ =	sdelay $0x1  }
0xc9: {  	v16 =	vadd.f32 v17, v16;
	v17 =	vld [tilespmem:$0x1FFD0];
	_ =	sdelay $0x4  }
0xca: {  	v16 =	vadd.f32 v16, v17;
	_ =	sdelay $0x1  }
0xcb: {  	v16 =	vsub.f32 $0.0e+00, v16;
	_ =	sdelay $0x1  }
0xcc: {  	v16 =	vmul.f32 $1.442695020e+00, v16;
	_ =	sdelay $0x1  }
0xcd: {  	(erf) = vpow2.f32 v16;
	_ =	sdelay $0x8  }
0xce: {  	v16 =	vpop (erf)  }
0xcf: {  	v16 =	vadd.f32 $1.000000000e+00, v16;
	_ =	sdelay $0x1  }
0xd0: {  	(erf) = vrcp.f32 v16;
	_ =	sdelay $0x3  }
0xd1: {  	s29 =	sadd.s32 $0x40, s29  }
0xd2: {  	p0 =	sne.s32 s29, $0x800  }
.Ltmp3:
0xd3: {  	_ = 	snop;
	(pc) =	sbr.rel @!p0 .LBB2_5-.Ltmp3, $3  }
0xd4: {  	_ =	sdelay $0x1  }
0xd5: {  	v16 =	vpop (erf)  }
0xd6: {  	[tilespmem:s30+$0x10480] =	vst v16  }
.LBB2_2:
0xd7: {  	s30 =	sshra.s32 s29, $0x2  }
0xd8: {  	v16 =	vld [tilespmem:s30+$0x200];
	_ =	sdelay $0x4  }
0xd9: {  	(v2sf) =	vpush v16, $0x0;
	_ =	sdelay $0x5  }
0xda: {  	(v2sf) =	vpush v16, $0x1;
	_ =	sdelay $0x5  }
0xdb: {  	(v2sf) =	vpush v16, $0x2;
	_ =	sdelay $0x2  }
0xdc: {  	s31 =	spop (v2sf)  }
0xdd: {  	s31 =	sand.u32 $0xFFFFF80, s31  }
0xde: {  	s31 =	sadd.s32 s2, s31  }
0xdf: {  	(v2sf) =	vpush v16, $0x3;
	[tilespmem:s20], [sflag:$0x2] =	stream.linear.gather [hbm4b:s31+s4], $0x400, $0x38;
	[tilespmem:$0x10680] =	vst v63  }
0xe0: {  	s0 =	simm.s32 $0xC400;
	s31 =	sadd.s32 $0xF4280, s31  }
0xe1: {  	[tilespmem:s0], [sflag:$0x2] =	stream.linear.gather [hbm4b:s31+s4], $0x400, $0x38;
	[tilespmem:$0x10680] =	vst v63  }
0xe2: {  	s0 =	spop (v2sf)  }
0xe3: {  	s31 =	sand.u32 $0xFFFFF80, s0  }
0xe4: {  	s0 =	simm.s32 $0x8800;
	s31 =	sadd.s32 s2, s31  }
0xe5: {  	(v2sf) =	vpush v16, $0x4;
	[tilespmem:s0], [sflag:$0x2] =	stream.linear.gather [hbm4b:s31+s4], $0x400, $0x38;
	[tilespmem:$0x10680] =	vst v63  }
0xe6: {  	s31 =	sadd.s32 $0xF4280, s31;
	s0 =	simm.s32 $0xC800  }
0xe7: {  	[tilespmem:s0], [sflag:$0x2] =	stream.linear.gather [hbm4b:s31+s4], $0x400, $0x38;
	[tilespmem:$0x10680] =	vst v63  }
0xe8: {  	s0 =	spop (v2sf)  }
0xe9: {  	s31 =	sand.u32 $0xFFFFF80, s0  }
0xea: {  	s0 =	simm.s32 $0x8C00;
	s31 =	sadd.s32 s2, s31  }
0xeb: {  	(v2sf) =	vpush v16, $0x5;
	[tilespmem:s0], [sflag:$0x2] =	stream.linear.gather [hbm4b:s31+s4], $0x400, $0x38;
	[tilespmem:$0x10680] =	vst v63  }
0xec: {  	s31 =	sadd.s32 $0xF4280, s31;
	s0 =	simm.s32 $0xCC00  }
0xed: {  	[tilespmem:s0], [sflag:$0x2] =	stream.linear.gather [hbm4b:s31+s4], $0x400, $0x38;
	[tilespmem:$0x10680] =	vst v63  }
0xee: {  	s0 =	spop (v2sf)  }
0xef: {  	s31 =	sand.u32 $0xFFFFF80, s0  }
0xf0: {  	s0 =	simm.s32 $0x9000;
	s31 =	sadd.s32 s2, s31  }
0xf1: {  	(v2sf) =	vpush v16, $0x6;
	[tilespmem:s0], [sflag:$0x2] =	stream.linear.gather [hbm4b:s31+s4], $0x400, $0x38;
	[tilespmem:$0x10680] =	vst v63  }
0xf2: {  	s31 =	sadd.s32 $0xF4280, s31;
	s0 =	simm.s32 $0xD000  }
0xf3: {  	[tilespmem:s0], [sflag:$0x2] =	stream.linear.gather [hbm4b:s31+s4], $0x400, $0x38;
	[tilespmem:$0x10680] =	vst v63  }
0xf4: {  	s0 =	spop (v2sf)  }
0xf5: {  	s31 =	sand.u32 $0xFFFFF80, s0  }
0xf6: {  	s0 =	simm.s32 $0x9400;
	s31 =	sadd.s32 s2, s31  }
0xf7: {  	(v2sf) =	vpush v16, $0x7;
	[tilespmem:s0], [sflag:$0x2] =	stream.linear.gather [hbm4b:s31+s4], $0x400, $0x38;
	[tilespmem:$0x10680] =	vst v63  }
0xf8: {  	s31 =	sadd.s32 $0xF4280, s31;
	s0 =	simm.s32 $0xD400  }
0xf9: {  	[tilespmem:s0], [sflag:$0x2] =	stream.linear.gather [hbm4b:s31+s4], $0x400, $0x38;
	[tilespmem:$0x10680] =	vst v63  }
0xfa: {  	s0 =	spop (v2sf)  }
0xfb: {  	s31 =	sand.u32 $0xFFFFF80, s0  }
0xfc: {  	s0 =	simm.s32 $0x9800;
	s31 =	sadd.s32 s2, s31  }
0xfd: {  	(v2sf) =	vpush v16, $0x8;
	[tilespmem:s0], [sflag:$0x2] =	stream.linear.gather [hbm4b:s31+s4], $0x400, $0x38;
	[tilespmem:$0x10680] =	vst v63  }
0xfe: {  	s31 =	sadd.s32 $0xF4280, s31;
	s0 =	simm.s32 $0xD800  }
0xff: {  	[tilespmem:s0], [sflag:$0x2] =	stream.linear.gather [hbm4b:s31+s4], $0x400, $0x38;
	[tilespmem:$0x10680] =	vst v63  }
0x100: {  	s0 =	spop (v2sf)  }
0x101: {  	s31 =	sand.u32 $0xFFFFF80, s0  }
0x102: {  	s0 =	simm.s32 $0x9C00;
	s31 =	sadd.s32 s2, s31  }
0x103: {  	(v2sf) =	vpush v16, $0x9;
	[tilespmem:s0], [sflag:$0x2] =	stream.linear.gather [hbm4b:s31+s4], $0x400, $0x38;
	[tilespmem:$0x10680] =	vst v63  }
0x104: {  	s31 =	sadd.s32 $0xF4280, s31  }
0x105: {  	[tilespmem:s10], [sflag:$0x2] =	stream.linear.gather [hbm4b:s31+s4], $0x400, $0x38;
	[tilespmem:$0x10680] =	vst v63  }
0x106: {  	s0 =	spop (v2sf)  }
0x107: {  	s31 =	sand.u32 $0xFFFFF80, s0  }
0x108: {  	s31 =	sadd.s32 s2, s31  }
0x109: {  	(v2sf) =	vpush v16, $0xA;
	[tilespmem:s14], [sflag:$0x2] =	stream.linear.gather [hbm4b:s31+s4], $0x400, $0x38;
	[tilespmem:$0x10680] =	vst v63  }
0x10a: {  	s31 =	sadd.s32 $0xF4280, s31  }
0x10b: {  	[tilespmem:s12], [sflag:$0x2] =	stream.linear.gather [hbm4b:s31+s4], $0x400, $0x38;
	[tilespmem:$0x10680] =	vst v63  }
0x10c: {  	s0 =	spop (v2sf)  }
0x10d: {  	s31 =	sand.u32 $0xFFFFF80, s0  }
0x10e: {  	s31 =	sadd.s32 s2, s31  }
0x10f: {  	(v2sf) =	vpush v16, $0xB;
	[tilespmem:s5], [sflag:$0x2] =	stream.linear.gather [hbm4b:s31+s4], $0x400, $0x38;
	[tilespmem:$0x10680] =	vst v63  }
0x110: {  	s31 =	sadd.s32 $0xF4280, s31  }
0x111: {  	[tilespmem:s13], [sflag:$0x2] =	stream.linear.gather [hbm4b:s31+s4], $0x400, $0x38;
	[tilespmem:$0x10680] =	vst v63  }
0x112: {  	s0 =	spop (v2sf)  }
0x113: {  	s31 =	sand.u32 $0xFFFFF80, s0  }
0x114: {  	s31 =	sadd.s32 s2, s31  }
0x115: {  	(v2sf) =	vpush v16, $0xC;
	[tilespmem:s7], [sflag:$0x2] =	stream.linear.gather [hbm4b:s31+s4], $0x400, $0x38;
	[tilespmem:$0x10680] =	vst v63  }
0x116: {  	s31 =	sadd.s32 $0xF4280, s31  }
0x117: {  	[tilespmem:s8], [sflag:$0x2] =	stream.linear.gather [hbm4b:s31+s4], $0x400, $0x38;
	[tilespmem:$0x10680] =	vst v63  }
0x118: {  	s0 =	spop (v2sf)  }
0x119: {  	s31 =	sand.u32 $0xFFFFF80, s0  }
0x11a: {  	s31 =	sadd.s32 s2, s31  }
0x11b: {  	(v2sf) =	vpush v16, $0xD;
	[tilespmem:s9], [sflag:$0x2] =	stream.linear.gather [hbm4b:s31+s4], $0x400, $0x38;
	[tilespmem:$0x10680] =	vst v63  }
0x11c: {  	s31 =	sadd.s32 $0xF4280, s31  }
0x11d: {  	[tilespmem:s6], [sflag:$0x2] =	stream.linear.gather [hbm4b:s31+s4], $0x400, $0x38;
	[tilespmem:$0x10680] =	vst v63  }
0x11e: {  	s0 =	spop (v2sf)  }
0x11f: {  	s31 =	sand.u32 $0xFFFFF80, s0  }
0x120: {  	s31 =	sadd.s32 s2, s31  }
0x121: {  	(v2sf) =	vpush v16, $0xE;
	[tilespmem:s11], [sflag:$0x2] =	stream.linear.gather [hbm4b:s31+s4], $0x400, $0x38;
	[tilespmem:$0x10680] =	vst v63  }
0x122: {  	s31 =	sadd.s32 $0xF4280, s31  }
0x123: {  	[tilespmem:s16], [sflag:$0x2] =	stream.linear.gather [hbm4b:s31+s4], $0x400, $0x38;
	[tilespmem:$0x10680] =	vst v63  }
0x124: {  	s0 =	spop (v2sf)  }
0x125: {  	s31 =	sand.u32 $0xFFFFF80, s0  }
0x126: {  	s31 =	sadd.s32 s2, s31  }
0x127: {  	(v2sf) =	vpush v16, $0xF;
	[tilespmem:s17], [sflag:$0x2] =	stream.linear.gather [hbm4b:s31+s4], $0x400, $0x38;
	[tilespmem:$0x10680] =	vst v63  }
0x128: {  	s31 =	sadd.s32 $0xF4280, s31  }
0x129: {  	[tilespmem:s18], [sflag:$0x2] =	stream.linear.gather [hbm4b:s31+s4], $0x400, $0x38;
	[tilespmem:$0x10680] =	vst v63  }
0x12a: {  	s0 =	spop (v2sf)  }
0x12b: {  	s31 =	sand.u32 $0xFFFFF80, s0  }
0x12c: {  	s31 =	sadd.s32 s2, s31  }
0x12d: {  	[tilespmem:s19], [sflag:$0x2] =	stream.linear.gather [hbm4b:s31+s4], $0x400, $0x38;
	[tilespmem:$0x10680] =	vst v63  }
0x12e: {  	s31 =	sadd.s32 $0xF4280, s31  }
0x12f: {  	[tilespmem:s21], [sflag:$0x2] =	stream.linear.gather [hbm4b:s31+s4], $0x400, $0x38;
	[tilespmem:$0x10680] =	vst v63  }
0x130: {  	s0 =	spop (v2sf)  }
0x131: {  	s31 =	sand.u32 $0xFFFFF80, s0  }
0x132: {  	s31 =	sadd.s32 s2, s31  }
0x133: {  	[tilespmem:s22], [sflag:$0x2] =	stream.linear.gather [hbm4b:s31+s4], $0x400, $0x38;
	[tilespmem:$0x10680] =	vst v63  }
0x134: {  	s31 =	sadd.s32 $0xF4280, s31  }
0x135: {  	[tilespmem:s23], [sflag:$0x2] =	stream.linear.gather [hbm4b:s31+s4], $0x400, $0x38;
	[tilespmem:$0x10680] =	vst v63  }
0x136: {  	s0 =	spop (v2sf)  }
0x137: {  	s31 =	sand.u32 $0xFFFFF80, s0  }
0x138: {  	s31 =	sadd.s32 s2, s31  }
0x139: {  	[tilespmem:s24], [sflag:$0x2] =	stream.linear.gather [hbm4b:s31+s4], $0x400, $0x38;
	[tilespmem:$0x10680] =	vst v63  }
0x13a: {  	s31 =	sadd.s32 $0xF4280, s31  }
0x13b: {  	[tilespmem:s25], [sflag:$0x2] =	stream.linear.gather [hbm4b:s31+s4], $0x400, $0x38;
	[tilespmem:$0x10680] =	vst v63  }
0x13c: {  	_ =	swait.ge [sflag:s26], $0x8000  }
0x13d: {  	[sflag:s26] =	ssyncset.done $0x0  }
0x13e: {  	[sflag:s26] =	ssyncadd.s32 $0xFFFF8000  }
0x13f: {  	v16 =	vld [tilespmem:s30+$0x0];
	_ =	sdelay $0x4  }
0x140: {  	v49 =	vand.u32 $0x7F, v16  }
0x141: {  	v16 =	vor.u32 v0, v49  }
0x142: {  	v50 =	vor.u32 v1, v49  }
0x143: {  	v51 =	vor.u32 v2, v49  }
0x144: {  	v52 =	vor.u32 v3, v49  }
0x145: {  	v53 =	vor.u32 v4, v49  }
0x146: {  	v57 =	vor.u32 v7, v49;
	v58 =	vld.idx.msk [tilespmem:v16+s15+$0x0], $0xffff  }
0x147: {  	v55 =	vor.u32 v10, v49;
	v59 =	vld.idx.msk [tilespmem:v50+s15+$0x0], $0xffff  }
0x148: {  	v16 =	vor.u32 v5, v49;
	v60 =	vld.idx.msk [tilespmem:v51+s15+$0x0], $0xffff  }
0x149: {  	v50 =	vor.u32 v6, v49;
	v61 =	vld.idx.msk [tilespmem:v52+s15+$0x0], $0xffff  }
0x14a: {  	v52 =	vor.u32 v8, v49;
	v62 =	vld.idx.msk [tilespmem:v53+s15+$0x0], $0xffff  }
0x14b: {  	v53 =	vor.u32 v9, v49;
	v57 =	vld.idx.msk [tilespmem:v57+s15+$0x0], $0xffff  }
0x14c: {  	v51 =	vor.u32 v12, v49;
	v55 =	vld.idx.msk [tilespmem:v55+s15+$0x0], $0xffff  }
0x14d: {  	v17 =	vor.u32 v13, v49;
	v63 =	vld.idx.msk [tilespmem:v16+s15+$0x0], $0xffff  }
0x14e: {  	v16 =	vld.idx.msk [tilespmem:v50+s15+$0x0], $0xffff;
	v50 =	vor.u32 v11, v49  }
0x14f: {  	v18 =	vor.u32 v14, v49;
	v56 =	vld.idx.msk [tilespmem:v52+s15+$0x0], $0xffff  }
0x150: {  	p0 =	seq.s32 s29, $0x7C0;
	v54 =	vld.idx.msk [tilespmem:v53+s15+$0x0], $0xffff;
	v49 =	vor.u32 v15, v49  }
.Ltmp4:
0x151: {  	v52 =	vld.idx.msk [tilespmem:v51+s15+$0x0], $0xffff;
	(pc) =	sbr.rel @p0 .LBB2_4-.Ltmp4, $4  }
0x152: {  	v51 =	vld.idx.msk [tilespmem:v17+s15+$0x0], $0xffff  }
0x153: {  	v53 =	vld.idx.msk [tilespmem:v50+s15+$0x0], $0xffff  }
0x154: {  	v50 =	vld.idx.msk [tilespmem:v18+s15+$0x0], $0xffff  }
0x155: {  	v49 =	vld.idx.msk [tilespmem:v49+s15+$0x0], $0xffff  }
0x156: {  	v17 =	vld [tilespmem:s30+$0x10];
	_ =	sdelay $0x4  }
0x157: {  	(v2sf) =	vpush v17, $0x0;
	_ =	sdelay $0x5  }
0x158: {  	(v2sf) =	vpush v17, $0x1;
	_ =	sdelay $0x5  }
0x159: {  	(v2sf) =	vpush v17, $0x2;
	_ =	sdelay $0x2  }
0x15a: {  	s31 =	spop (v2sf)  }
0x15b: {  	s31 =	sand.u32 $0xFFFFF80, s31  }
0x15c: {  	s31 =	sadd.s32 s1, s31  }
0x15d: {  	(v2sf) =	vpush v17, $0x3;
	[tilespmem:s15], [sflag:$0x1] =	stream.linear.gather [hbm4b:s31+s4], $0x400, $0x38;
	[tilespmem:$0x10680] =	vst v63  }
0x15e: {  	s0 =	simm.s32 $0x4400;
	s31 =	sadd.s32 $0xF4280, s31  }
0x15f: {  	[tilespmem:s0], [sflag:$0x1] =	stream.linear.gather [hbm4b:s31+s4], $0x400, $0x38;
	[tilespmem:$0x10680] =	vst v63  }
0x160: {  	s0 =	spop (v2sf)  }
0x161: {  	s31 =	sand.u32 $0xFFFFF80, s0  }
0x162: {  	s31 =	sadd.s32 s1, s31  }
0x163: {  	(v2sf) =	vpush v17, $0x4;
	[tilespmem:s3], [sflag:$0x1] =	stream.linear.gather [hbm4b:s31+s4], $0x400, $0x38;
	[tilespmem:$0x10680] =	vst v63  }
0x164: {  	s0 =	simm.s32 $0x4800;
	s31 =	sadd.s32 $0xF4280, s31  }
0x165: {  	[tilespmem:s0], [sflag:$0x1] =	stream.linear.gather [hbm4b:s31+s4], $0x400, $0x38;
	[tilespmem:$0x10680] =	vst v63  }
0x166: {  	s0 =	spop (v2sf)  }
0x167: {  	s31 =	sand.u32 $0xFFFFF80, s0  }
0x168: {  	s0 =	simm.s32 $0xC00;
	s31 =	sadd.s32 s1, s31  }
0x169: {  	(v2sf) =	vpush v17, $0x5;
	[tilespmem:s0], [sflag:$0x1] =	stream.linear.gather [hbm4b:s31+s4], $0x400, $0x38;
	[tilespmem:$0x10680] =	vst v63  }
0x16a: {  	s31 =	sadd.s32 $0xF4280, s31;
	s0 =	simm.s32 $0x4C00  }
0x16b: {  	[tilespmem:s0], [sflag:$0x1] =	stream.linear.gather [hbm4b:s31+s4], $0x400, $0x38;
	[tilespmem:$0x10680] =	vst v63  }
0x16c: {  	s0 =	spop (v2sf)  }
0x16d: {  	s31 =	sand.u32 $0xFFFFF80, s0  }
0x16e: {  	s0 =	simm.s32 $0x1000;
	s31 =	sadd.s32 s1, s31  }
0x16f: {  	(v2sf) =	vpush v17, $0x6;
	[tilespmem:s0], [sflag:$0x1] =	stream.linear.gather [hbm4b:s31+s4], $0x400, $0x38;
	[tilespmem:$0x10680] =	vst v63  }
0x170: {  	s31 =	sadd.s32 $0xF4280, s31;
	s0 =	simm.s32 $0x5000  }
0x171: {  	[tilespmem:s0], [sflag:$0x1] =	stream.linear.gather [hbm4b:s31+s4], $0x400, $0x38;
	[tilespmem:$0x10680] =	vst v63  }
0x172: {  	s0 =	spop (v2sf)  }
0x173: {  	s31 =	sand.u32 $0xFFFFF80, s0  }
0x174: {  	s0 =	simm.s32 $0x1400;
	s31 =	sadd.s32 s1, s31  }
0x175: {  	(v2sf) =	vpush v17, $0x7;
	[tilespmem:s0], [sflag:$0x1] =	stream.linear.gather [hbm4b:s31+s4], $0x400, $0x38;
	[tilespmem:$0x10680] =	vst v63  }
0x176: {  	s31 =	sadd.s32 $0xF4280, s31;
	s0 =	simm.s32 $0x5400  }
0x177: {  	[tilespmem:s0], [sflag:$0x1] =	stream.linear.gather [hbm4b:s31+s4], $0x400, $0x38;
	[tilespmem:$0x10680] =	vst v63  }
0x178: {  	s0 =	spop (v2sf)  }
0x179: {  	s31 =	sand.u32 $0xFFFFF80, s0  }
0x17a: {  	s0 =	simm.s32 $0x1800;
	s31 =	sadd.s32 s1, s31  }
0x17b: {  	(v2sf) =	vpush v17, $0x8;
	[tilespmem:s0], [sflag:$0x1] =	stream.linear.gather [hbm4b:s31+s4], $0x400, $0x38;
	[tilespmem:$0x10680] =	vst v63  }
0x17c: {  	s31 =	sadd.s32 $0xF4280, s31;
	s0 =	simm.s32 $0x5800  }
0x17d: {  	[tilespmem:s0], [sflag:$0x1] =	stream.linear.gather [hbm4b:s31+s4], $0x400, $0x38;
	[tilespmem:$0x10680] =	vst v63  }
0x17e: {  	s0 =	spop (v2sf)  }
0x17f: {  	s31 =	sand.u32 $0xFFFFF80, s0  }
0x180: {  	s0 =	simm.s32 $0x1C00;
	s31 =	sadd.s32 s1, s31  }
0x181: {  	(v2sf) =	vpush v17, $0x9;
	[tilespmem:s0], [sflag:$0x1] =	stream.linear.gather [hbm4b:s31+s4], $0x400, $0x38;
	[tilespmem:$0x10680] =	vst v63  }
0x182: {  	s31 =	sadd.s32 $0xF4280, s31;
	s0 =	simm.s32 $0x5C00  }
0x183: {  	[tilespmem:s0], [sflag:$0x1] =	stream.linear.gather [hbm4b:s31+s4], $0x400, $0x38;
	[tilespmem:$0x10680] =	vst v63  }
0x184: {  	s0 =	spop (v2sf)  }
0x185: {  	s31 =	sand.u32 $0xFFFFF80, s0  }
0x186: {  	s0 =	simm.s32 $0x2000;
	s31 =	sadd.s32 s1, s31  }
0x187: {  	(v2sf) =	vpush v17, $0xA;
	[tilespmem:s0], [sflag:$0x1] =	stream.linear.gather [hbm4b:s31+s4], $0x400, $0x38;
	[tilespmem:$0x10680] =	vst v63  }
0x188: {  	s31 =	sadd.s32 $0xF4280, s31;
	s0 =	simm.s32 $0x6000  }
0x189: {  	[tilespmem:s0], [sflag:$0x1] =	stream.linear.gather [hbm4b:s31+s4], $0x400, $0x38;
	[tilespmem:$0x10680] =	vst v63  }
0x18a: {  	s0 =	spop (v2sf)  }
0x18b: {  	s31 =	sand.u32 $0xFFFFF80, s0  }
0x18c: {  	s0 =	simm.s32 $0x2400;
	s31 =	sadd.s32 s1, s31  }
0x18d: {  	(v2sf) =	vpush v17, $0xB;
	[tilespmem:s0], [sflag:$0x1] =	stream.linear.gather [hbm4b:s31+s4], $0x400, $0x38;
	[tilespmem:$0x10680] =	vst v63  }
0x18e: {  	s31 =	sadd.s32 $0xF4280, s31;
	s0 =	simm.s32 $0x6400  }
0x18f: {  	[tilespmem:s0], [sflag:$0x1] =	stream.linear.gather [hbm4b:s31+s4], $0x400, $0x38;
	[tilespmem:$0x10680] =	vst v63  }
0x190: {  	s0 =	spop (v2sf)  }
0x191: {  	s31 =	sand.u32 $0xFFFFF80, s0  }
0x192: {  	s0 =	simm.s32 $0x2800;
	s31 =	sadd.s32 s1, s31  }
0x193: {  	(v2sf) =	vpush v17, $0xC;
	[tilespmem:s0], [sflag:$0x1] =	stream.linear.gather [hbm4b:s31+s4], $0x400, $0x38;
	[tilespmem:$0x10680] =	vst v63  }
0x194: {  	s31 =	sadd.s32 $0xF4280, s31;
	s0 =	simm.s32 $0x6800  }
0x195: {  	[tilespmem:s0], [sflag:$0x1] =	stream.linear.gather [hbm4b:s31+s4], $0x400, $0x38;
	[tilespmem:$0x10680] =	vst v63  }
0x196: {  	s0 =	spop (v2sf)  }
0x197: {  	s31 =	sand.u32 $0xFFFFF80, s0  }
0x198: {  	s0 =	simm.s32 $0x2C00;
	s31 =	sadd.s32 s1, s31  }
0x199: {  	(v2sf) =	vpush v17, $0xD;
	[tilespmem:s0], [sflag:$0x1] =	stream.linear.gather [hbm4b:s31+s4], $0x400, $0x38;
	[tilespmem:$0x10680] =	vst v63  }
0x19a: {  	s31 =	sadd.s32 $0xF4280, s31;
	s0 =	simm.s32 $0x6C00  }
0x19b: {  	[tilespmem:s0], [sflag:$0x1] =	stream.linear.gather [hbm4b:s31+s4], $0x400, $0x38;
	[tilespmem:$0x10680] =	vst v63  }
0x19c: {  	s0 =	spop (v2sf)  }
0x19d: {  	s31 =	sand.u32 $0xFFFFF80, s0  }
0x19e: {  	s0 =	simm.s32 $0x3000;
	s31 =	sadd.s32 s1, s31  }
0x19f: {  	(v2sf) =	vpush v17, $0xE;
	[tilespmem:s0], [sflag:$0x1] =	stream.linear.gather [hbm4b:s31+s4], $0x400, $0x38;
	[tilespmem:$0x10680] =	vst v63  }
0x1a0: {  	s31 =	sadd.s32 $0xF4280, s31;
	s0 =	simm.s32 $0x7000  }
0x1a1: {  	[tilespmem:s0], [sflag:$0x1] =	stream.linear.gather [hbm4b:s31+s4], $0x400, $0x38;
	[tilespmem:$0x10680] =	vst v63  }
0x1a2: {  	s0 =	spop (v2sf)  }
0x1a3: {  	s31 =	sand.u32 $0xFFFFF80, s0  }
0x1a4: {  	s0 =	simm.s32 $0x3400;
	s31 =	sadd.s32 s1, s31  }
0x1a5: {  	(v2sf) =	vpush v17, $0xF;
	[tilespmem:s0], [sflag:$0x1] =	stream.linear.gather [hbm4b:s31+s4], $0x400, $0x38;
	[tilespmem:$0x10680] =	vst v63  }
0x1a6: {  	s31 =	sadd.s32 $0xF4280, s31;
	s0 =	simm.s32 $0x7400  }
0x1a7: {  	[tilespmem:s0], [sflag:$0x1] =	stream.linear.gather [hbm4b:s31+s4], $0x400, $0x38;
	[tilespmem:$0x10680] =	vst v63  }
0x1a8: {  	s0 =	spop (v2sf)  }
0x1a9: {  	s31 =	sand.u32 $0xFFFFF80, s0  }
0x1aa: {  	s0 =	simm.s32 $0x3800;
	s31 =	sadd.s32 s1, s31  }
0x1ab: {  	[tilespmem:s0], [sflag:$0x1] =	stream.linear.gather [hbm4b:s31+s4], $0x400, $0x38;
	[tilespmem:$0x10680] =	vst v63  }
0x1ac: {  	s31 =	sadd.s32 $0xF4280, s31;
	s0 =	simm.s32 $0x7800  }
0x1ad: {  	[tilespmem:s0], [sflag:$0x1] =	stream.linear.gather [hbm4b:s31+s4], $0x400, $0x38;
	[tilespmem:$0x10680] =	vst v63  }
0x1ae: {  	s0 =	spop (v2sf)  }
0x1af: {  	s31 =	sand.u32 $0xFFFFF80, s0  }
0x1b0: {  	s0 =	simm.s32 $0x3C00;
	s31 =	sadd.s32 s1, s31  }
0x1b1: {  	[tilespmem:s0], [sflag:$0x1] =	stream.linear.gather [hbm4b:s31+s4], $0x400, $0x38;
	[tilespmem:$0x10680] =	vst v63  }
0x1b2: {  	s31 =	sadd.s32 $0xF4280, s31;
	s0 =	simm.s32 $0x7C00  }
0x1b3: {  	[tilespmem:s0], [sflag:$0x1] =	stream.linear.gather [hbm4b:s31+s4], $0x400, $0x38;
	[tilespmem:$0x10680] =	vst v63  }
0x1b4: {  	s0 =	spop (v2sf)  }
.Ltmp5:
0x1b5: {  	s31 =	sand.u32 $0xFFFFF80, s0;
	(pc) =	sbr.rel .LBB2_4-.Ltmp5, $4  }
0x1b6: {  	s0 =	simm.s32 $0x4000;
	s31 =	sadd.s32 s1, s31  }
0x1b7: {  	[tilespmem:s0], [sflag:$0x1] =	stream.linear.gather [hbm4b:s31+s4], $0x400, $0x38;
	[tilespmem:$0x10680] =	vst v63  }
0x1b8: {  	s31 =	sadd.s32 $0xF4280, s31;
	s0 =	simm.s32 $0x8000  }
0x1b9: {  	[tilespmem:s0], [sflag:$0x1] =	stream.linear.gather [hbm4b:s31+s4], $0x400, $0x38;
	[tilespmem:$0x10680] =	vst v63  }
.LBB2_6:
0x1ba: {  	_ =	sfence.sel $0x180000  }
0x1bb: {  	[bflag:$0x0] =	sbarrier.arrive $0xFFFF  }
0x1bc: {  	_ =	strace $0x90000047  }
0x1bd: {  	s0 =	stileid.u32;
	[bflag:$0x2] =	sbarrier.arrive $0xFFFF  }
0x1be: {  	p0 =	sne.s32 s0, $0x0;
	s0 =	rddreg [dreg:$0x5]  }
0x1bf: {  	s0 =	sadd.s32 @!p0 $0x100000, s0  }
0x1c0: {  	[sflag:s0] =	ssyncadd.tile.s32 @!p0 $0x1;
	_ =	shalt  }
.Lfunc_end2:
_tile_overlayer_lowered:
.L_overlay_start_2:
0x1c1: {  	(tag) =	ssettag $0x2  }
0x1c2: {  	s0 =	rddreg [dreg:$0x0];
	s2 =	stileid.u32  }
0x1c3: {  	s1 =	rddreg [dreg:$0x1];
	p0 =	sne.s32 s2, $0x0  }
0x1c4: {  	s3 =	rddreg [dreg:$0x2];
	[bflag:$0x3] =	sbarrier.arrive $0xFFFF;
	s2 =	simm.s32 @!p0 $0x1C03  }
0x1c5: {  	[timem:s3], [sflag:s2] =	dma.local @!p0 [hbm:s0], s1  }
0x1c6: {  	s0 =	simm.s32 @!p0 $0x3  }
0x1c7: {  	_ =	swait.ge @!p0 [sflag:s0], s1  }
0x1c8: {  	s1 =	ssub.s32 @!p0 $0x0, s1;
	[sflag:s0] =	ssyncset.done @!p0 $0x0  }
0x1c9: {  	[sflag:s0] =	ssyncadd.s32 @!p0 s1  }
0x1ca: {  	[bflag:$0x3] =	sbarrier.arrive $0xFFFF  }
0x1cb: {  	_ =	shalt  }

</sc_bundles>
